<compile_context>
chip_gen: v7x
topology: tpu7x:2x2x1
jax: 0.10.2.dev20260603
libtpu: 0.0.44.dev20260713+nightly
codegen_flags: <defaults>
</compile_context>

<pallas_src>
import jax
import jax.numpy as jnp
from jax import lax
from jax.experimental import pallas as pl
from jax.experimental.pallas import tpu as pltpu
from jax.experimental.pallas import tpu_sc as plsc

BATCH = 4
SEQ = 4096
DIM = 2048
NTOK = BATCH * SEQ
NC = 2
NS = 16
NW = NC * NS
PER_W = NTOK // NW
WPR = SEQ // PER_W
LANES = 16
CH = 16
NCH = PER_W // CH
NB = 3
NVREG = PER_W // LANES


def _body(x_hbm, embed_hbm, out_hbm, x_v, idx_v, rows_bufs, gsems, wsems):
    wid = lax.axis_index("s") * NC + lax.axis_index("c")
    row = wid // WPR
    ch = wid % WPR

    pltpu.sync_copy(x_hbm.at[pl.ds(row * SEQ, SEQ)], x_v)

    def pre_body(i, carry):
        v = x_v[pl.ds(i * LANES, LANES)]
        ones = jnp.where(v != 0, 1, 0).astype(jnp.int32)
        return carry + jnp.sum(ones)

    carry0 = lax.fori_loop(0, ch * NVREG, pre_body, jnp.int32(0))

    base = ch * PER_W

    def pos_body(j, carry):
        v = x_v[pl.ds(base + j * LANES, LANES)]
        ones = jnp.where(v != 0, 1, 0).astype(jnp.int32)
        cs = jnp.cumsum(ones) + carry
        idx_v[pl.ds(j * LANES, LANES)] = cs * ones
        return carry + jnp.sum(ones)

    lax.fori_loop(0, NVREG, pos_body, carry0)

    out_base = wid * PER_W

    def start_gather(g, b):
        pltpu.async_copy(embed_hbm.at[idx_v.at[pl.ds(g * CH, CH)]],
                         rows_bufs[b], gsems[b])

    def wait_gather(b):
        pltpu.make_async_copy(embed_hbm.at[idx_v.at[pl.ds(0, CH)]],
                              rows_bufs[b], gsems[b]).wait()

    def start_write(g, b):
        pltpu.async_copy(rows_bufs[b],
                         out_hbm.at[pl.ds(out_base + g * CH, CH)], wsems[b])

    def wait_write(b):
        pltpu.make_async_copy(rows_bufs[b],
                              out_hbm.at[pl.ds(out_base, CH)],
                              wsems[b]).wait()

    def step(g, b, nxt_b, has_next, wait_prev_write):
        wait_gather(b)
        start_write(g, b)
        if has_next:
            if wait_prev_write:
                wait_write(nxt_b)
            start_gather(g + NB - 1, nxt_b)

    for g in range(NB - 1):
        start_gather(g, g % NB)

    for g in range(NB):
        step(g, g % NB, (g + NB - 1) % NB, True, g + NB - 1 >= NB)

    def g_body(k, _):
        g0 = NB * k
        for j in range(NB):
            step(g0 + j, j % NB, (j + NB - 1) % NB, True, True)
        return 0

    n_full = NCH // NB
    lax.fori_loop(1, n_full, g_body, 0)
    for g in range(NB * n_full, NCH):
        has_next = g + NB - 1 < NCH
        step(g, g % NB, (g + NB - 1) % NB, has_next, has_next)
    for b in range(NB):
        wait_write(b)


@jax.jit
def kernel(x, embed):
    x_flat = x.reshape(NTOK)
    mesh = plsc.VectorSubcoreMesh(
        core_axis_name="c", subcore_axis_name="s", num_cores=NC,
        num_subcores=NS,
    )
    out = pl.kernel(
        _body,
        out_type=jax.ShapeDtypeStruct((NTOK, DIM), jnp.float32),
        mesh=mesh,
        compiler_params=pltpu.CompilerParams(needs_layout_passes=False),
        scratch_types=[
            pltpu.VMEM((SEQ,), jnp.int32),
            pltpu.VMEM((PER_W,), jnp.int32),
            tuple(pltpu.VMEM((CH, DIM), jnp.float32) for _ in range(NB)),
            tuple(pltpu.SemaphoreType.DMA for _ in range(NB)),
            tuple(pltpu.SemaphoreType.DMA for _ in range(NB)),
        ],
    )(x_flat, embed)
    return out.reshape(BATCH, SEQ, DIM)

# --- scband reference (transcript-rebuilt; emitter-appended) ---
"""Pipeline reference for scband-learned-positional-embedding-50783693308090 (READ-ONLY COPY).

The authoritative reference and input builder live on the scoring server;
editing this copy changes nothing except your own understanding.
"""

import jax, jax.numpy as jnp
import numpy as np

MAX_LEN = 4096
EMBED_DIM = 2048
PAD_ID = 0
BATCH = 4
SEQ_LEN = 4096


def setup_inputs(seed: int = 0) -> dict:
    key = jax.random.key(seed)
    k1, k2 = jax.random.split(key)
    # token ids; value 0 acts as pad_id
    x = jax.random.randint(k1, (BATCH, SEQ_LEN), 0, 1000, dtype=jnp.int32)
    # learned positional embedding table, rows = max_len + 1, row pad_id zeroed (padding_idx)
    embed = jax.random.normal(k2, (MAX_LEN + 1, EMBED_DIM), dtype=jnp.float32)
    embed = embed.at[PAD_ID].set(0.0)
    return {"x": x, "embed": embed}


def reference(x, embed):
    not_pad = (x != PAD_ID)
    pos = jnp.cumsum(not_pad.astype(jnp.int32), axis=1) * not_pad.astype(jnp.int32)
    out = jnp.take(embed, pos, axis=0)
    return out

if __name__ == "__main__":
    import jax
    _d = setup_inputs()
    print(jax.jit(kernel)(*tuple(_d.values())))

</pallas_src>

<mosaic_0001>
#map = affine_map<(d0, d1) -> (0)>
#map1 = affine_map<(d0, d1) -> (0, 0)>
module attributes {stable_mosaic.version = 14 : i64} {
  func.func @_body(%arg0: i32, %arg1: i32, %arg2: memref<16384xi32, #tpu.memory_space<hbm>>, %arg3: memref<4097x2048xf32, #tpu.memory_space<hbm>>, %arg4: memref<16384x2048xf32, #tpu.memory_space<hbm>>, %arg5: memref<4096xi32, #tpu.memory_space<vmem>>, %arg6: memref<512xi32, #tpu.memory_space<vmem>>, %arg7: memref<16x2048xf32, #tpu.memory_space<vmem>>, %arg8: memref<16x2048xf32, #tpu.memory_space<vmem>>, %arg9: memref<16x2048xf32, #tpu.memory_space<vmem>>, %arg10: memref<!tpu.dma_semaphore, #tpu.memory_space<semaphore_mem>>, %arg11: memref<!tpu.dma_semaphore, #tpu.memory_space<semaphore_mem>>, %arg12: memref<!tpu.dma_semaphore, #tpu.memory_space<semaphore_mem>>, %arg13: memref<!tpu.dma_semaphore, #tpu.memory_space<semaphore_mem>>, %arg14: memref<!tpu.dma_semaphore, #tpu.memory_space<semaphore_mem>>, %arg15: memref<!tpu.dma_semaphore, #tpu.memory_space<semaphore_mem>>) attributes {dimension_semantics = [#tpu.dimension_semantics<core_parallel>, #tpu.dimension_semantics<subcore_parallel>], iteration_bounds = array<i64: 2, 16>, scalar_prefetch = 0 : i64, scratch_operands = 11 : i64, tpu.core_type = #tpu.core_type<sc_vector_subcore>, window_params = [{transform_indices = #map}, {transform_indices = #map1}, {transform_indices = #map1}]} {
    %mul3A = arith.constant 2 : i32
    %mul3A_0 = arith.muli %arg1, %mul3A : i32
    %add3A = arith.addi %mul3A_0, %arg0 : i32
    %jit3A = arith.constant 8 : i32
    %div3A = arith.divsi %add3A, %jit3A : i32
    %sign3A = arith.constant 0 : i32
    %sign3A_1 = arith.cmpi sgt, %add3A, %sign3A : i32
    %sign3A_2 = arith.extui %sign3A_1 : i1 to i32
    %sign3A_3 = arith.constant 0 : i32
    %sign3A_4 = arith.cmpi slt, %add3A, %sign3A_3 : i32
    %sign3A_5 = arith.extui %sign3A_4 : i1 to i32
    %sign3A_6 = arith.subi %sign3A_2, %sign3A_5 : i32
    %sign3A_7 = arith.constant 0 : i32
    %sign3A_8 = arith.cmpi sgt, %jit3A, %sign3A_7 : i32
    %sign3A_9 = arith.extui %sign3A_8 : i1 to i32
    %sign3A_10 = arith.constant 0 : i32
    %sign3A_11 = arith.cmpi slt, %jit3A, %sign3A_10 : i32
    %sign3A_12 = arith.extui %sign3A_11 : i1 to i32
    %sign3A_13 = arith.subi %sign3A_9, %sign3A_12 : i32
    %ne3A = arith.cmpi ne, %sign3A_6, %sign3A_13 : i32
    %rem3A = arith.remsi %add3A, %jit3A : i32
    %ne3A_14 = arith.constant 0 : i32
    %ne3A_15 = arith.cmpi ne, %rem3A, %ne3A_14 : i32
    %and3A = arith.andi %ne3A, %ne3A_15 : i1
    %sub3A = arith.constant 1 : i32
    %sub3A_16 = arith.subi %div3A, %sub3A : i32
    %select_n3A = arith.select %and3A, %sub3A_16, %div3A : i32
    %jit3A_17 = arith.constant 8 : i32
    %eq3A = arith.constant 0 : i32
    %eq3A_18 = arith.cmpi eq, %jit3A_17, %eq3A : i32
    %jit3A_19 = arith.constant 1 : i32
    %select_n3A_20 = arith.select %eq3A_18, %jit3A_19, %jit3A_17 : i32
    %rem3A_21 = arith.remsi %add3A, %select_n3A_20 : i32
    %ne3A_22 = arith.constant 0 : i32
    %ne3A_23 = arith.cmpi ne, %rem3A_21, %ne3A_22 : i32
    %lt3A = arith.constant 0 : i32
    %lt3A_24 = arith.cmpi slt, %rem3A_21, %lt3A : i32
    %lt3A_25 = arith.constant 0 : i32
    %lt3A_26 = arith.cmpi slt, %select_n3A_20, %lt3A_25 : i32
    %ne3A_27 = arith.xori %lt3A_24, %lt3A_26 : i1
    %and3A_28 = arith.andi %ne3A_27, %ne3A_23 : i1
    %add3A_29 = arith.addi %rem3A_21, %select_n3A_20 : i32
    %select_n3A_30 = arith.select %and3A_28, %add3A_29, %rem3A_21 : i32
    %mul3A_31 = arith.constant 4096 : i32
    %mul3A_32 = arith.muli %select_n3A, %mul3A_31 : i32
    "tpu.region"() ({
      %run_scoped3A = tpu.sem_alloc : memref<!tpu.dma_semaphore, #tpu.memory_space<semaphore_mem>>
      %dma_start3A_160 = tpu.memref_slice %arg2[%mul3A_32] : memref<16384xi32, #tpu.memory_space<hbm>> -> memref<4096xi32, #tpu.memory_space<hbm>>
      %dma_start3A_161 = tpu.memref_slice %arg2[%mul3A_32] : memref<16384xi32, #tpu.memory_space<hbm>> -> memref<4096xi32, #tpu.memory_space<hbm>>
      tpu.enqueue_dma source(%dma_start3A_161 : memref<4096xi32, #tpu.memory_space<hbm>>) target(%arg5 : memref<4096xi32, #tpu.memory_space<vmem>>) target_semaphore(%run_scoped3A : memref<!tpu.dma_semaphore, #tpu.memory_space<semaphore_mem>>)
      %dma_wait3A_162 = tpu.memref_slice %arg2[%mul3A_32] : memref<16384xi32, #tpu.memory_space<hbm>> -> memref<4096xi32, #tpu.memory_space<hbm>>
      %dma_wait3A_163 = tpu.memref_slice %arg2[%mul3A_32] : memref<16384xi32, #tpu.memory_space<hbm>> -> memref<4096xi32, #tpu.memory_space<hbm>>
      tpu.wait_dma2 semaphore(%run_scoped3A : memref<!tpu.dma_semaphore, #tpu.memory_space<semaphore_mem>>) src(%dma_wait3A_163 : memref<4096xi32, #tpu.memory_space<hbm>>) dst(%arg5 : memref<4096xi32, #tpu.memory_space<vmem>>)
      tpu.yield
    }) : () -> ()
    %mul3A_33 = arith.constant 32 : i32
    %mul3A_34 = arith.muli %select_n3A_30, %mul3A_33 : i32
    %while3A = arith.constant 0 : i32
    %while3A_35 = arith.constant 0 : i32
    %while3A_36 = arith.subi %mul3A_34, %while3A : i32
    %while3A_37 = arith.addi %while3A, %while3A_36 : i32
    %while3A_38 = arith.constant 1 : i32
    %while3A_39 = arith.divsi %while3A_36, %while3A_38 : i32
    %while3A_40 = arith.muli %while3A_39, %while3A_38 : i32
    %while3A_41 = arith.addi %while3A, %while3A_40 : i32
    %while3A_42 = arith.constant 1 : i32
    %while3A_43 = scf.for %while3A_160 = %while3A to %while3A_41 step %while3A_42 iter_args(%while3A_161 = %while3A_35) -> (i32)  : i32 {
      %mul3A_162 = arith.constant 16 : i32
      %mul3A_163 = arith.muli %while3A_160, %mul3A_162 : i32
      %get3A = arith.index_cast %mul3A_163 : i32 to index
      %get3A_164 = tpu.vector_load %arg5[%get3A] {strides = array<i32>} : memref<4096xi32, #tpu.memory_space<vmem>>, vector<16xi32>,
      %ne3A_165 = arith.constant 0 : i32
      %ne3A_166 = vector.broadcast %ne3A_165 : i32 to vector<16xi32>
      %ne3A_167 = arith.cmpi ne, %get3A_164, %ne3A_166 : vector<16xi32>
      %jit3A_168 = arith.constant 1 : i32
      %jit3A_169 = arith.constant 0 : i32
      %broadcast_in_dim3A = vector.broadcast %jit3A_168 : i32 to vector<16xi32>
      %broadcast_in_dim3A_170 = vector.broadcast %jit3A_169 : i32 to vector<16xi32>
      %select_n3A_171 = arith.select %ne3A_167, %broadcast_in_dim3A, %broadcast_in_dim3A_170 : vector<16xi1>, vector<16xi32>
      %reduce_sum3A = arith.constant true
      %reduce_sum3A_172 = vector.broadcast %reduce_sum3A : i1 to vector<16xi1>
      %reduce_sum3A_173 = tpu.scan <sum>, %select_n3A_171 masked %reduce_sum3A_172 : vector<16xi32>, vector<16xi1> -> vector<16xi32>
      %reduce_sum3A_174 = vector.extract %reduce_sum3A_173[15] : i32 from vector<16xi32>
      %add3A_175 = arith.addi %while3A_161, %reduce_sum3A_174 : i32
      scf.yield %add3A_175 : i32
    }
    %while3A_44 = arith.constant 1 : i32
    %while3A_45 = scf.for %while3A_160 = %while3A_41 to %while3A_37 step %while3A_44 iter_args(%while3A_161 = %while3A_43) -> (i32)  : i32 {
      %mul3A_162 = arith.constant 16 : i32
      %mul3A_163 = arith.muli %while3A_160, %mul3A_162 : i32
      %get3A = arith.index_cast %mul3A_163 : i32 to index
      %get3A_164 = tpu.vector_load %arg5[%get3A] {strides = array<i32>} : memref<4096xi32, #tpu.memory_space<vmem>>, vector<16xi32>,
      %ne3A_165 = arith.constant 0 : i32
      %ne3A_166 = vector.broadcast %ne3A_165 : i32 to vector<16xi32>
      %ne3A_167 = arith.cmpi ne, %get3A_164, %ne3A_166 : vector<16xi32>
      %jit3A_168 = arith.constant 1 : i32
      %jit3A_169 = arith.constant 0 : i32
      %broadcast_in_dim3A = vector.broadcast %jit3A_168 : i32 to vector<16xi32>
      %broadcast_in_dim3A_170 = vector.broadcast %jit3A_169 : i32 to vector<16xi32>
      %select_n3A_171 = arith.select %ne3A_167, %broadcast_in_dim3A, %broadcast_in_dim3A_170 : vector<16xi1>, vector<16xi32>
      %reduce_sum3A = arith.constant true
      %reduce_sum3A_172 = vector.broadcast %reduce_sum3A : i1 to vector<16xi1>
      %reduce_sum3A_173 = tpu.scan <sum>, %select_n3A_171 masked %reduce_sum3A_172 : vector<16xi32>, vector<16xi1> -> vector<16xi32>
      %reduce_sum3A_174 = vector.extract %reduce_sum3A_173[15] : i32 from vector<16xi32>
      %add3A_175 = arith.addi %while3A_161, %reduce_sum3A_174 : i32
      scf.yield %add3A_175 : i32
    }
    %mul3A_46 = arith.constant 512 : i32
    %mul3A_47 = arith.muli %select_n3A_30, %mul3A_46 : i32
    %scan3A = arith.constant 0 : i32
    %scan3A_48 = arith.constant 32 : i32
    %scan3A_49 = arith.addi %scan3A, %scan3A_48 : i32
    %scan3A_50 = arith.constant 1 : i32
    %scan3A_51 = scf.for %scan3A_160 = %scan3A to %scan3A_49 step %scan3A_50 iter_args(%scan3A_161 = %while3A_45) -> (i32)  : i32 {
      %mul3A_162 = arith.constant 16 : i32
      %mul3A_163 = arith.muli %scan3A_160, %mul3A_162 : i32
      %add3A_164 = arith.addi %mul3A_47, %mul3A_163 : i32
      %get3A = arith.index_cast %add3A_164 : i32 to index
      %get3A_165 = tpu.vector_load %arg5[%get3A] {strides = array<i32>} : memref<4096xi32, #tpu.memory_space<vmem>>, vector<16xi32>,
      %ne3A_166 = arith.constant 0 : i32
      %ne3A_167 = vector.broadcast %ne3A_166 : i32 to vector<16xi32>
      %ne3A_168 = arith.cmpi ne, %get3A_165, %ne3A_167 : vector<16xi32>
      %jit3A_169 = arith.constant 1 : i32
      %jit3A_170 = arith.constant 0 : i32
      %broadcast_in_dim3A = vector.broadcast %jit3A_169 : i32 to vector<16xi32>
      %broadcast_in_dim3A_171 = vector.broadcast %jit3A_170 : i32 to vector<16xi32>
      %select_n3A_172 = arith.select %ne3A_168, %broadcast_in_dim3A, %broadcast_in_dim3A_171 : vector<16xi1>, vector<16xi32>
      %cumsum3A = arith.constant true
      %cumsum3A_173 = vector.broadcast %cumsum3A : i1 to vector<16xi1>
      %cumsum3A_174 = tpu.scan <sum>, %select_n3A_172 masked %cumsum3A_173 : vector<16xi32>, vector<16xi1> -> vector<16xi32>
      %add3A_175 = vector.broadcast %scan3A_161 : i32 to vector<16xi32>
      %add3A_176 = arith.addi %cumsum3A_174, %add3A_175 : vector<16xi32>
      %mul3A_177 = arith.muli %add3A_176, %select_n3A_172 : vector<16xi32>
      %mul3A_178 = arith.constant 16 : i32
      %mul3A_179 = arith.muli %scan3A_160, %mul3A_178 : i32
      %swap3A = arith.index_cast %mul3A_179 : i32 to index
      %swap3A_180 = tpu.vector_load %arg6[%swap3A] {strides = array<i32>} : memref<512xi32, #tpu.memory_space<vmem>>, vector<16xi32>,
      tpu.vector_store %arg6[%swap3A], %mul3A_177 {strides = array<i32>} : memref<512xi32, #tpu.memory_space<vmem>>, vector<16xi32>,
      %reduce_sum3A = arith.constant true
      %reduce_sum3A_181 = vector.broadcast %reduce_sum3A : i1 to vector<16xi1>
      %reduce_sum3A_182 = tpu.scan <sum>, %select_n3A_172 masked %reduce_sum3A_181 : vector<16xi32>, vector<16xi1> -> vector<16xi32>
      %reduce_sum3A_183 = vector.extract %reduce_sum3A_182[15] : i32 from vector<16xi32>
      %add3A_184 = arith.addi %scan3A_161, %reduce_sum3A_183 : i32
      scf.yield %add3A_184 : i32
    }
    %scan3A_52 = arith.constant 32 : i32
    %mul3A_53 = arith.constant 512 : i32
    %mul3A_54 = arith.muli %add3A, %mul3A_53 : i32
    %dma_start3A = arith.constant 0 : i32
    %dma_start3A_55 = tpu.memref_slice %arg6[%dma_start3A] : memref<512xi32, #tpu.memory_space<vmem>> -> memref<16xi32, #tpu.memory_space<vmem>>
    %dma_start3A_56 = arith.constant 0 : i32
    %dma_start3A_57 = arith.constant 0 : i32
    %dma_start3A_58 = tpu.memref_slice %arg3[%dma_start3A_56, %dma_start3A_57] : memref<4097x2048xf32, #tpu.memory_space<hbm>> -> memref<4097x2048xf32, #tpu.memory_space<hbm>>
    tpu.enqueue_indirect_dma source(%dma_start3A_58 : memref<4097x2048xf32, #tpu.memory_space<hbm>>) target(%arg7 : memref<16x2048xf32, #tpu.memory_space<vmem>>) offsets(%dma_start3A_55 : memref<16xi32, #tpu.memory_space<vmem>>) semaphore(%arg10 : memref<!tpu.dma_semaphore, #tpu.memory_space<semaphore_mem>>)
    %dma_start3A_59 = arith.constant 16 : i32
    %dma_start3A_60 = tpu.memref_slice %arg6[%dma_start3A_59] : memref<512xi32, #tpu.memory_space<vmem>> -> memref<16xi32, #tpu.memory_space<vmem>>
    %dma_start3A_61 = arith.constant 0 : i32
    %dma_start3A_62 = arith.constant 0 : i32
    %dma_start3A_63 = tpu.memref_slice %arg3[%dma_start3A_61, %dma_start3A_62] : memref<4097x2048xf32, #tpu.memory_space<hbm>> -> memref<4097x2048xf32, #tpu.memory_space<hbm>>
    tpu.enqueue_indirect_dma source(%dma_start3A_63 : memref<4097x2048xf32, #tpu.memory_space<hbm>>) target(%arg8 : memref<16x2048xf32, #tpu.memory_space<vmem>>) offsets(%dma_start3A_60 : memref<16xi32, #tpu.memory_space<vmem>>) semaphore(%arg11 : memref<!tpu.dma_semaphore, #tpu.memory_space<semaphore_mem>>)
    %dma_wait3A = arith.constant 0 : i32
    %dma_wait3A_64 = tpu.memref_slice %arg6[%dma_wait3A] : memref<512xi32, #tpu.memory_space<vmem>> -> memref<16xi32, #tpu.memory_space<vmem>>
    %dma_wait3A_65 = arith.constant 0 : i32
    %dma_wait3A_66 = arith.constant 0 : i32
    %dma_wait3A_67 = tpu.memref_slice %arg3[%dma_wait3A_65, %dma_wait3A_66] : memref<4097x2048xf32, #tpu.memory_space<hbm>> -> memref<4097x2048xf32, #tpu.memory_space<hbm>>
    tpu.wait_indirect_dma semaphore(%arg10 : memref<!tpu.dma_semaphore, #tpu.memory_space<semaphore_mem>>) src(%dma_wait3A_67 : memref<4097x2048xf32, #tpu.memory_space<hbm>>) dst(%arg7 : memref<16x2048xf32, #tpu.memory_space<vmem>>)
    %add3A_68 = arith.constant 0 : i32
    %add3A_69 = arith.addi %mul3A_54, %add3A_68 : i32
    %dma_start3A_70 = arith.constant 0 : i32
    %dma_start3A_71 = tpu.memref_slice %arg4[%add3A_69, %dma_start3A_70] : memref<16384x2048xf32, #tpu.memory_space<hbm>> -> memref<16x2048xf32, #tpu.memory_space<hbm>>
    %dma_start3A_72 = arith.constant 0 : i32
    %dma_start3A_73 = tpu.memref_slice %arg4[%add3A_69, %dma_start3A_72] : memref<16384x2048xf32, #tpu.memory_space<hbm>> -> memref<16x2048xf32, #tpu.memory_space<hbm>>
    tpu.enqueue_dma source(%arg7 : memref<16x2048xf32, #tpu.memory_space<vmem>>) target(%dma_start3A_73 : memref<16x2048xf32, #tpu.memory_space<hbm>>) target_semaphore(%arg13 : memref<!tpu.dma_semaphore, #tpu.memory_space<semaphore_mem>>)
    %dma_start3A_74 = arith.constant 32 : i32
    %dma_start3A_75 = tpu.memref_slice %arg6[%dma_start3A_74] : memref<512xi32, #tpu.memory_space<vmem>> -> memref<16xi32, #tpu.memory_space<vmem>>
    %dma_start3A_76 = arith.constant 0 : i32
    %dma_start3A_77 = arith.constant 0 : i32
    %dma_start3A_78 = tpu.memref_slice %arg3[%dma_start3A_76, %dma_start3A_77] : memref<4097x2048xf32, #tpu.memory_space<hbm>> -> memref<4097x2048xf32, #tpu.memory_space<hbm>>
    tpu.enqueue_indirect_dma source(%dma_start3A_78 : memref<4097x2048xf32, #tpu.memory_space<hbm>>) target(%arg9 : memref<16x2048xf32, #tpu.memory_space<vmem>>) offsets(%dma_start3A_75 : memref<16xi32, #tpu.memory_space<vmem>>) semaphore(%arg12 : memref<!tpu.dma_semaphore, #tpu.memory_space<semaphore_mem>>)
    %dma_wait3A_79 = arith.constant 0 : i32
    %dma_wait3A_80 = tpu.memref_slice %arg6[%dma_wait3A_79] : memref<512xi32, #tpu.memory_space<vmem>> -> memref<16xi32, #tpu.memory_space<vmem>>
    %dma_wait3A_81 = arith.constant 0 : i32
    %dma_wait3A_82 = arith.constant 0 : i32
    %dma_wait3A_83 = tpu.memref_slice %arg3[%dma_wait3A_81, %dma_wait3A_82] : memref<4097x2048xf32, #tpu.memory_space<hbm>> -> memref<4097x2048xf32, #tpu.memory_space<hbm>>
    tpu.wait_indirect_dma semaphore(%arg11 : memref<!tpu.dma_semaphore, #tpu.memory_space<semaphore_mem>>) src(%dma_wait3A_83 : memref<4097x2048xf32, #tpu.memory_space<hbm>>) dst(%arg8 : memref<16x2048xf32, #tpu.memory_space<vmem>>)
    %add3A_84 = arith.constant 16 : i32
    %add3A_85 = arith.addi %mul3A_54, %add3A_84 : i32
    %dma_start3A_86 = arith.constant 0 : i32
    %dma_start3A_87 = tpu.memref_slice %arg4[%add3A_85, %dma_start3A_86] : memref<16384x2048xf32, #tpu.memory_space<hbm>> -> memref<16x2048xf32, #tpu.memory_space<hbm>>
    %dma_start3A_88 = arith.constant 0 : i32
    %dma_start3A_89 = tpu.memref_slice %arg4[%add3A_85, %dma_start3A_88] : memref<16384x2048xf32, #tpu.memory_space<hbm>> -> memref<16x2048xf32, #tpu.memory_space<hbm>>
    tpu.enqueue_dma source(%arg8 : memref<16x2048xf32, #tpu.memory_space<vmem>>) target(%dma_start3A_89 : memref<16x2048xf32, #tpu.memory_space<hbm>>) target_semaphore(%arg14 : memref<!tpu.dma_semaphore, #tpu.memory_space<semaphore_mem>>)
    %dma_wait3A_90 = arith.constant 0 : i32
    %dma_wait3A_91 = tpu.memref_slice %arg4[%mul3A_54, %dma_wait3A_90] : memref<16384x2048xf32, #tpu.memory_space<hbm>> -> memref<16x2048xf32, #tpu.memory_space<hbm>>
    %dma_wait3A_92 = arith.constant 0 : i32
    %dma_wait3A_93 = tpu.memref_slice %arg4[%mul3A_54, %dma_wait3A_92] : memref<16384x2048xf32, #tpu.memory_space<hbm>> -> memref<16x2048xf32, #tpu.memory_space<hbm>>
    tpu.wait_dma2 semaphore(%arg13 : memref<!tpu.dma_semaphore, #tpu.memory_space<semaphore_mem>>) src(%arg7 : memref<16x2048xf32, #tpu.memory_space<vmem>>) dst(%dma_wait3A_93 : memref<16x2048xf32, #tpu.memory_space<hbm>>)
    %dma_start3A_94 = arith.constant 48 : i32
    %dma_start3A_95 = tpu.memref_slice %arg6[%dma_start3A_94] : memref<512xi32, #tpu.memory_space<vmem>> -> memref<16xi32, #tpu.memory_space<vmem>>
    %dma_start3A_96 = arith.constant 0 : i32
    %dma_start3A_97 = arith.constant 0 : i32
    %dma_start3A_98 = tpu.memref_slice %arg3[%dma_start3A_96, %dma_start3A_97] : memref<4097x2048xf32, #tpu.memory_space<hbm>> -> memref<4097x2048xf32, #tpu.memory_space<hbm>>
    tpu.enqueue_indirect_dma source(%dma_start3A_98 : memref<4097x2048xf32, #tpu.memory_space<hbm>>) target(%arg7 : memref<16x2048xf32, #tpu.memory_space<vmem>>) offsets(%dma_start3A_95 : memref<16xi32, #tpu.memory_space<vmem>>) semaphore(%arg10 : memref<!tpu.dma_semaphore, #tpu.memory_space<semaphore_mem>>)
    %dma_wait3A_99 = arith.constant 0 : i32
    %dma_wait3A_100 = tpu.memref_slice %arg6[%dma_wait3A_99] : memref<512xi32, #tpu.memory_space<vmem>> -> memref<16xi32, #tpu.memory_space<vmem>>
    %dma_wait3A_101 = arith.constant 0 : i32
    %dma_wait3A_102 = arith.constant 0 : i32
    %dma_wait3A_103 = tpu.memref_slice %arg3[%dma_wait3A_101, %dma_wait3A_102] : memref<4097x2048xf32, #tpu.memory_space<hbm>> -> memref<4097x2048xf32, #tpu.memory_space<hbm>>
    tpu.wait_indirect_dma semaphore(%arg12 : memref<!tpu.dma_semaphore, #tpu.memory_space<semaphore_mem>>) src(%dma_wait3A_103 : memref<4097x2048xf32, #tpu.memory_space<hbm>>) dst(%arg9 : memref<16x2048xf32, #tpu.memory_space<vmem>>)
    %add3A_104 = arith.constant 32 : i32
    %add3A_105 = arith.addi %mul3A_54, %add3A_104 : i32
    %dma_start3A_106 = arith.constant 0 : i32
    %dma_start3A_107 = tpu.memref_slice %arg4[%add3A_105, %dma_start3A_106] : memref<16384x2048xf32, #tpu.memory_space<hbm>> -> memref<16x2048xf32, #tpu.memory_space<hbm>>
    %dma_start3A_108 = arith.constant 0 : i32
    %dma_start3A_109 = tpu.memref_slice %arg4[%add3A_105, %dma_start3A_108] : memref<16384x2048xf32, #tpu.memory_space<hbm>> -> memref<16x2048xf32, #tpu.memory_space<hbm>>
    tpu.enqueue_dma source(%arg9 : memref<16x2048xf32, #tpu.memory_space<vmem>>) target(%dma_start3A_109 : memref<16x2048xf32, #tpu.memory_space<hbm>>) target_semaphore(%arg15 : memref<!tpu.dma_semaphore, #tpu.memory_space<semaphore_mem>>)
    %dma_wait3A_110 = arith.constant 0 : i32
    %dma_wait3A_111 = tpu.memref_slice %arg4[%mul3A_54, %dma_wait3A_110] : memref<16384x2048xf32, #tpu.memory_space<hbm>> -> memref<16x2048xf32, #tpu.memory_space<hbm>>
    %dma_wait3A_112 = arith.constant 0 : i32
    %dma_wait3A_113 = tpu.memref_slice %arg4[%mul3A_54, %dma_wait3A_112] : memref<16384x2048xf32, #tpu.memory_space<hbm>> -> memref<16x2048xf32, #tpu.memory_space<hbm>>
    tpu.wait_dma2 semaphore(%arg14 : memref<!tpu.dma_semaphore, #tpu.memory_space<semaphore_mem>>) src(%arg8 : memref<16x2048xf32, #tpu.memory_space<vmem>>) dst(%dma_wait3A_113 : memref<16x2048xf32, #tpu.memory_space<hbm>>)
    %dma_start3A_114 = arith.constant 64 : i32
    %dma_start3A_115 = tpu.memref_slice %arg6[%dma_start3A_114] : memref<512xi32, #tpu.memory_space<vmem>> -> memref<16xi32, #tpu.memory_space<vmem>>
    %dma_start3A_116 = arith.constant 0 : i32
    %dma_start3A_117 = arith.constant 0 : i32
    %dma_start3A_118 = tpu.memref_slice %arg3[%dma_start3A_116, %dma_start3A_117] : memref<4097x2048xf32, #tpu.memory_space<hbm>> -> memref<4097x2048xf32, #tpu.memory_space<hbm>>
    tpu.enqueue_indirect_dma source(%dma_start3A_118 : memref<4097x2048xf32, #tpu.memory_space<hbm>>) target(%arg8 : memref<16x2048xf32, #tpu.memory_space<vmem>>) offsets(%dma_start3A_115 : memref<16xi32, #tpu.memory_space<vmem>>) semaphore(%arg11 : memref<!tpu.dma_semaphore, #tpu.memory_space<semaphore_mem>>)
    %scan3A_119 = arith.constant 0 : i32
    %scan3A_120 = arith.constant 1 : i32
    %scan3A_121 = arith.constant 9 : i32
    %scan3A_122 = arith.addi %scan3A_120, %scan3A_121 : i32
    %scan3A_123 = arith.constant 1 : i32
    %scan3A_124 = scf.for %scan3A_160 = %scan3A_120 to %scan3A_122 step %scan3A_123 iter_args(%scan3A_161 = %scan3A_119) -> (i32)  : i32 {
      %mul3A_162 = arith.constant 3 : i32
      %mul3A_163 = arith.muli %mul3A_162, %scan3A_160 : i32
      %add3A_164 = arith.constant 0 : i32
      %add3A_165 = arith.addi %mul3A_163, %add3A_164 : i32
      %dma_wait3A_166 = arith.constant 0 : i32
      %dma_wait3A_167 = tpu.memref_slice %arg6[%dma_wait3A_166] : memref<512xi32, #tpu.memory_space<vmem>> -> memref<16xi32, #tpu.memory_space<vmem>>
      %dma_wait3A_168 = arith.constant 0 : i32
      %dma_wait3A_169 = arith.constant 0 : i32
      %dma_wait3A_170 = tpu.memref_slice %arg3[%dma_wait3A_168, %dma_wait3A_169] : memref<4097x2048xf32, #tpu.memory_space<hbm>> -> memref<4097x2048xf32, #tpu.memory_space<hbm>>
      tpu.wait_indirect_dma semaphore(%arg10 : memref<!tpu.dma_semaphore, #tpu.memory_space<semaphore_mem>>) src(%dma_wait3A_170 : memref<4097x2048xf32, #tpu.memory_space<hbm>>) dst(%arg7 : memref<16x2048xf32, #tpu.memory_space<vmem>>)
      %mul3A_171 = arith.constant 16 : i32
      %mul3A_172 = arith.muli %add3A_165, %mul3A_171 : i32
      %add3A_173 = arith.addi %mul3A_54, %mul3A_172 : i32
      %dma_start3A_174 = arith.constant 0 : i32
      %dma_start3A_175 = tpu.memref_slice %arg4[%add3A_173, %dma_start3A_174] : memref<16384x2048xf32, #tpu.memory_space<hbm>> -> memref<16x2048xf32, #tpu.memory_space<hbm>>
      %dma_start3A_176 = arith.constant 0 : i32
      %dma_start3A_177 = tpu.memref_slice %arg4[%add3A_173, %dma_start3A_176] : memref<16384x2048xf32, #tpu.memory_space<hbm>> -> memref<16x2048xf32, #tpu.memory_space<hbm>>
      tpu.enqueue_dma source(%arg7 : memref<16x2048xf32, #tpu.memory_space<vmem>>) target(%dma_start3A_177 : memref<16x2048xf32, #tpu.memory_space<hbm>>) target_semaphore(%arg13 : memref<!tpu.dma_semaphore, #tpu.memory_space<semaphore_mem>>)
      %dma_wait3A_178 = arith.constant 0 : i32
      %dma_wait3A_179 = tpu.memref_slice %arg4[%mul3A_54, %dma_wait3A_178] : memref<16384x2048xf32, #tpu.memory_space<hbm>> -> memref<16x2048xf32, #tpu.memory_space<hbm>>
      %dma_wait3A_180 = arith.constant 0 : i32
      %dma_wait3A_181 = tpu.memref_slice %arg4[%mul3A_54, %dma_wait3A_180] : memref<16384x2048xf32, #tpu.memory_space<hbm>> -> memref<16x2048xf32, #tpu.memory_space<hbm>>
      tpu.wait_dma2 semaphore(%arg15 : memref<!tpu.dma_semaphore, #tpu.memory_space<semaphore_mem>>) src(%arg9 : memref<16x2048xf32, #tpu.memory_space<vmem>>) dst(%dma_wait3A_181 : memref<16x2048xf32, #tpu.memory_space<hbm>>)
      %add3A_182 = arith.constant 3 : i32
      %add3A_183 = arith.addi %add3A_165, %add3A_182 : i32
      %sub3A_184 = arith.constant 1 : i32
      %sub3A_185 = arith.subi %add3A_183, %sub3A_184 : i32
      %mul3A_186 = arith.constant 16 : i32
      %mul3A_187 = arith.muli %sub3A_185, %mul3A_186 : i32
      %dma_start3A_188 = tpu.memref_slice %arg6[%mul3A_187] : memref<512xi32, #tpu.memory_space<vmem>> -> memref<16xi32, #tpu.memory_space<vmem>>
      %dma_start3A_189 = arith.constant 0 : i32
      %dma_start3A_190 = arith.constant 0 : i32
      %dma_start3A_191 = tpu.memref_slice %arg3[%dma_start3A_189, %dma_start3A_190] : memref<4097x2048xf32, #tpu.memory_space<hbm>> -> memref<4097x2048xf32, #tpu.memory_space<hbm>>
      tpu.enqueue_indirect_dma source(%dma_start3A_191 : memref<4097x2048xf32, #tpu.memory_space<hbm>>) target(%arg9 : memref<16x2048xf32, #tpu.memory_space<vmem>>) offsets(%dma_start3A_188 : memref<16xi32, #tpu.memory_space<vmem>>) semaphore(%arg12 : memref<!tpu.dma_semaphore, #tpu.memory_space<semaphore_mem>>)
      %add3A_192 = arith.constant 1 : i32
      %add3A_193 = arith.addi %mul3A_163, %add3A_192 : i32
      %dma_wait3A_194 = arith.constant 0 : i32
      %dma_wait3A_195 = tpu.memref_slice %arg6[%dma_wait3A_194] : memref<512xi32, #tpu.memory_space<vmem>> -> memref<16xi32, #tpu.memory_space<vmem>>
      %dma_wait3A_196 = arith.constant 0 : i32
      %dma_wait3A_197 = arith.constant 0 : i32
      %dma_wait3A_198 = tpu.memref_slice %arg3[%dma_wait3A_196, %dma_wait3A_197] : memref<4097x2048xf32, #tpu.memory_space<hbm>> -> memref<4097x2048xf32, #tpu.memory_space<hbm>>
      tpu.wait_indirect_dma semaphore(%arg11 : memref<!tpu.dma_semaphore, #tpu.memory_space<semaphore_mem>>) src(%dma_wait3A_198 : memref<4097x2048xf32, #tpu.memory_space<hbm>>) dst(%arg8 : memref<16x2048xf32, #tpu.memory_space<vmem>>)
      %mul3A_199 = arith.constant 16 : i32
      %mul3A_200 = arith.muli %add3A_193, %mul3A_199 : i32
      %add3A_201 = arith.addi %mul3A_54, %mul3A_200 : i32
      %dma_start3A_202 = arith.constant 0 : i32
      %dma_start3A_203 = tpu.memref_slice %arg4[%add3A_201, %dma_start3A_202] : memref<16384x2048xf32, #tpu.memory_space<hbm>> -> memref<16x2048xf32, #tpu.memory_space<hbm>>
      %dma_start3A_204 = arith.constant 0 : i32
      %dma_start3A_205 = tpu.memref_slice %arg4[%add3A_201, %dma_start3A_204] : memref<16384x2048xf32, #tpu.memory_space<hbm>> -> memref<16x2048xf32, #tpu.memory_space<hbm>>
      tpu.enqueue_dma source(%arg8 : memref<16x2048xf32, #tpu.memory_space<vmem>>) target(%dma_start3A_205 : memref<16x2048xf32, #tpu.memory_space<hbm>>) target_semaphore(%arg14 : memref<!tpu.dma_semaphore, #tpu.memory_space<semaphore_mem>>)
      %dma_wait3A_206 = arith.constant 0 : i32
      %dma_wait3A_207 = tpu.memref_slice %arg4[%mul3A_54, %dma_wait3A_206] : memref<16384x2048xf32, #tpu.memory_space<hbm>> -> memref<16x2048xf32, #tpu.memory_space<hbm>>
      %dma_wait3A_208 = arith.constant 0 : i32
      %dma_wait3A_209 = tpu.memref_slice %arg4[%mul3A_54, %dma_wait3A_208] : memref<16384x2048xf32, #tpu.memory_space<hbm>> -> memref<16x2048xf32, #tpu.memory_space<hbm>>
      tpu.wait_dma2 semaphore(%arg13 : memref<!tpu.dma_semaphore, #tpu.memory_space<semaphore_mem>>) src(%arg7 : memref<16x2048xf32, #tpu.memory_space<vmem>>) dst(%dma_wait3A_209 : memref<16x2048xf32, #tpu.memory_space<hbm>>)
      %add3A_210 = arith.constant 3 : i32
      %add3A_211 = arith.addi %add3A_193, %add3A_210 : i32
      %sub3A_212 = arith.constant 1 : i32
      %sub3A_213 = arith.subi %add3A_211, %sub3A_212 : i32
      %mul3A_214 = arith.constant 16 : i32
      %mul3A_215 = arith.muli %sub3A_213, %mul3A_214 : i32
      %dma_start3A_216 = tpu.memref_slice %arg6[%mul3A_215] : memref<512xi32, #tpu.memory_space<vmem>> -> memref<16xi32, #tpu.memory_space<vmem>>
      %dma_start3A_217 = arith.constant 0 : i32
      %dma_start3A_218 = arith.constant 0 : i32
      %dma_start3A_219 = tpu.memref_slice %arg3[%dma_start3A_217, %dma_start3A_218] : memref<4097x2048xf32, #tpu.memory_space<hbm>> -> memref<4097x2048xf32, #tpu.memory_space<hbm>>
      tpu.enqueue_indirect_dma source(%dma_start3A_219 : memref<4097x2048xf32, #tpu.memory_space<hbm>>) target(%arg7 : memref<16x2048xf32, #tpu.memory_space<vmem>>) offsets(%dma_start3A_216 : memref<16xi32, #tpu.memory_space<vmem>>) semaphore(%arg10 : memref<!tpu.dma_semaphore, #tpu.memory_space<semaphore_mem>>)
      %add3A_220 = arith.constant 2 : i32
      %add3A_221 = arith.addi %mul3A_163, %add3A_220 : i32
      %dma_wait3A_222 = arith.constant 0 : i32
      %dma_wait3A_223 = tpu.memref_slice %arg6[%dma_wait3A_222] : memref<512xi32, #tpu.memory_space<vmem>> -> memref<16xi32, #tpu.memory_space<vmem>>
      %dma_wait3A_224 = arith.constant 0 : i32
      %dma_wait3A_225 = arith.constant 0 : i32
      %dma_wait3A_226 = tpu.memref_slice %arg3[%dma_wait3A_224, %dma_wait3A_225] : memref<4097x2048xf32, #tpu.memory_space<hbm>> -> memref<4097x2048xf32, #tpu.memory_space<hbm>>
      tpu.wait_indirect_dma semaphore(%arg12 : memref<!tpu.dma_semaphore, #tpu.memory_space<semaphore_mem>>) src(%dma_wait3A_226 : memref<4097x2048xf32, #tpu.memory_space<hbm>>) dst(%arg9 : memref<16x2048xf32, #tpu.memory_space<vmem>>)
      %mul3A_227 = arith.constant 16 : i32
      %mul3A_228 = arith.muli %add3A_221, %mul3A_227 : i32
      %add3A_229 = arith.addi %mul3A_54, %mul3A_228 : i32
      %dma_start3A_230 = arith.constant 0 : i32
      %dma_start3A_231 = tpu.memref_slice %arg4[%add3A_229, %dma_start3A_230] : memref<16384x2048xf32, #tpu.memory_space<hbm>> -> memref<16x2048xf32, #tpu.memory_space<hbm>>
      %dma_start3A_232 = arith.constant 0 : i32
      %dma_start3A_233 = tpu.memref_slice %arg4[%add3A_229, %dma_start3A_232] : memref<16384x2048xf32, #tpu.memory_space<hbm>> -> memref<16x2048xf32, #tpu.memory_space<hbm>>
      tpu.enqueue_dma source(%arg9 : memref<16x2048xf32, #tpu.memory_space<vmem>>) target(%dma_start3A_233 : memref<16x2048xf32, #tpu.memory_space<hbm>>) target_semaphore(%arg15 : memref<!tpu.dma_semaphore, #tpu.memory_space<semaphore_mem>>)
      %dma_wait3A_234 = arith.constant 0 : i32
      %dma_wait3A_235 = tpu.memref_slice %arg4[%mul3A_54, %dma_wait3A_234] : memref<16384x2048xf32, #tpu.memory_space<hbm>> -> memref<16x2048xf32, #tpu.memory_space<hbm>>
      %dma_wait3A_236 = arith.constant 0 : i32
      %dma_wait3A_237 = tpu.memref_slice %arg4[%mul3A_54, %dma_wait3A_236] : memref<16384x2048xf32, #tpu.memory_space<hbm>> -> memref<16x2048xf32, #tpu.memory_space<hbm>>
      tpu.wait_dma2 semaphore(%arg14 : memref<!tpu.dma_semaphore, #tpu.memory_space<semaphore_mem>>) src(%arg8 : memref<16x2048xf32, #tpu.memory_space<vmem>>) dst(%dma_wait3A_237 : memref<16x2048xf32, #tpu.memory_space<hbm>>)
      %add3A_238 = arith.constant 3 : i32
      %add3A_239 = arith.addi %add3A_221, %add3A_238 : i32
      %sub3A_240 = arith.constant 1 : i32
      %sub3A_241 = arith.subi %add3A_239, %sub3A_240 : i32
      %mul3A_242 = arith.constant 16 : i32
      %mul3A_243 = arith.muli %sub3A_241, %mul3A_242 : i32
      %dma_start3A_244 = tpu.memref_slice %arg6[%mul3A_243] : memref<512xi32, #tpu.memory_space<vmem>> -> memref<16xi32, #tpu.memory_space<vmem>>
      %dma_start3A_245 = arith.constant 0 : i32
      %dma_start3A_246 = arith.constant 0 : i32
      %dma_start3A_247 = tpu.memref_slice %arg3[%dma_start3A_245, %dma_start3A_246] : memref<4097x2048xf32, #tpu.memory_space<hbm>> -> memref<4097x2048xf32, #tpu.memory_space<hbm>>
      tpu.enqueue_indirect_dma source(%dma_start3A_247 : memref<4097x2048xf32, #tpu.memory_space<hbm>>) target(%arg8 : memref<16x2048xf32, #tpu.memory_space<vmem>>) offsets(%dma_start3A_244 : memref<16xi32, #tpu.memory_space<vmem>>) semaphore(%arg11 : memref<!tpu.dma_semaphore, #tpu.memory_space<semaphore_mem>>)
      %scan3A_248 = arith.constant 0 : i32
      scf.yield %scan3A_248 : i32
    }
    %scan3A_125 = arith.constant 9 : i32
    %dma_wait3A_126 = arith.constant 0 : i32
    %dma_wait3A_127 = tpu.memref_slice %arg6[%dma_wait3A_126] : memref<512xi32, #tpu.memory_space<vmem>> -> memref<16xi32, #tpu.memory_space<vmem>>
    %dma_wait3A_128 = arith.constant 0 : i32
    %dma_wait3A_129 = arith.constant 0 : i32
    %dma_wait3A_130 = tpu.memref_slice %arg3[%dma_wait3A_128, %dma_wait3A_129] : memref<4097x2048xf32, #tpu.memory_space<hbm>> -> memref<4097x2048xf32, #tpu.memory_space<hbm>>
    tpu.wait_indirect_dma semaphore(%arg10 : memref<!tpu.dma_semaphore, #tpu.memory_space<semaphore_mem>>) src(%dma_wait3A_130 : memref<4097x2048xf32, #tpu.memory_space<hbm>>) dst(%arg7 : memref<16x2048xf32, #tpu.memory_space<vmem>>)
    %add3A_131 = arith.constant 480 : i32
    %add3A_132 = arith.addi %mul3A_54, %add3A_131 : i32
    %dma_start3A_133 = arith.constant 0 : i32
    %dma_start3A_134 = tpu.memref_slice %arg4[%add3A_132, %dma_start3A_133] : memref<16384x2048xf32, #tpu.memory_space<hbm>> -> memref<16x2048xf32, #tpu.memory_space<hbm>>
    %dma_start3A_135 = arith.constant 0 : i32
    %dma_start3A_136 = tpu.memref_slice %arg4[%add3A_132, %dma_start3A_135] : memref<16384x2048xf32, #tpu.memory_space<hbm>> -> memref<16x2048xf32, #tpu.memory_space<hbm>>
    tpu.enqueue_dma source(%arg7 : memref<16x2048xf32, #tpu.memory_space<vmem>>) target(%dma_start3A_136 : memref<16x2048xf32, #tpu.memory_space<hbm>>) target_semaphore(%arg13 : memref<!tpu.dma_semaphore, #tpu.memory_space<semaphore_mem>>)
    %dma_wait3A_137 = arith.constant 0 : i32
    %dma_wait3A_138 = tpu.memref_slice %arg6[%dma_wait3A_137] : memref<512xi32, #tpu.memory_space<vmem>> -> memref<16xi32, #tpu.memory_space<vmem>>
    %dma_wait3A_139 = arith.constant 0 : i32
    %dma_wait3A_140 = arith.constant 0 : i32
    %dma_wait3A_141 = tpu.memref_slice %arg3[%dma_wait3A_139, %dma_wait3A_140] : memref<4097x2048xf32, #tpu.memory_space<hbm>> -> memref<4097x2048xf32, #tpu.memory_space<hbm>>
    tpu.wait_indirect_dma semaphore(%arg11 : memref<!tpu.dma_semaphore, #tpu.memory_space<semaphore_mem>>) src(%dma_wait3A_141 : memref<4097x2048xf32, #tpu.memory_space<hbm>>) dst(%arg8 : memref<16x2048xf32, #tpu.memory_space<vmem>>)
    %add3A_142 = arith.constant 496 : i32
    %add3A_143 = arith.addi %mul3A_54, %add3A_142 : i32
    %dma_start3A_144 = arith.constant 0 : i32
    %dma_start3A_145 = tpu.memref_slice %arg4[%add3A_143, %dma_start3A_144] : memref<16384x2048xf32, #tpu.memory_space<hbm>> -> memref<16x2048xf32, #tpu.memory_space<hbm>>
    %dma_start3A_146 = arith.constant 0 : i32
    %dma_start3A_147 = tpu.memref_slice %arg4[%add3A_143, %dma_start3A_146] : memref<16384x2048xf32, #tpu.memory_space<hbm>> -> memref<16x2048xf32, #tpu.memory_space<hbm>>
    tpu.enqueue_dma source(%arg8 : memref<16x2048xf32, #tpu.memory_space<vmem>>) target(%dma_start3A_147 : memref<16x2048xf32, #tpu.memory_space<hbm>>) target_semaphore(%arg14 : memref<!tpu.dma_semaphore, #tpu.memory_space<semaphore_mem>>)
    %dma_wait3A_148 = arith.constant 0 : i32
    %dma_wait3A_149 = tpu.memref_slice %arg4[%mul3A_54, %dma_wait3A_148] : memref<16384x2048xf32, #tpu.memory_space<hbm>> -> memref<16x2048xf32, #tpu.memory_space<hbm>>
    %dma_wait3A_150 = arith.constant 0 : i32
    %dma_wait3A_151 = tpu.memref_slice %arg4[%mul3A_54, %dma_wait3A_150] : memref<16384x2048xf32, #tpu.memory_space<hbm>> -> memref<16x2048xf32, #tpu.memory_space<hbm>>
    tpu.wait_dma2 semaphore(%arg13 : memref<!tpu.dma_semaphore, #tpu.memory_space<semaphore_mem>>) src(%arg7 : memref<16x2048xf32, #tpu.memory_space<vmem>>) dst(%dma_wait3A_151 : memref<16x2048xf32, #tpu.memory_space<hbm>>)
    %dma_wait3A_152 = arith.constant 0 : i32
    %dma_wait3A_153 = tpu.memref_slice %arg4[%mul3A_54, %dma_wait3A_152] : memref<16384x2048xf32, #tpu.memory_space<hbm>> -> memref<16x2048xf32, #tpu.memory_space<hbm>>
    %dma_wait3A_154 = arith.constant 0 : i32
    %dma_wait3A_155 = tpu.memref_slice %arg4[%mul3A_54, %dma_wait3A_154] : memref<16384x2048xf32, #tpu.memory_space<hbm>> -> memref<16x2048xf32, #tpu.memory_space<hbm>>
    tpu.wait_dma2 semaphore(%arg14 : memref<!tpu.dma_semaphore, #tpu.memory_space<semaphore_mem>>) src(%arg8 : memref<16x2048xf32, #tpu.memory_space<vmem>>) dst(%dma_wait3A_155 : memref<16x2048xf32, #tpu.memory_space<hbm>>)
    %dma_wait3A_156 = arith.constant 0 : i32
    %dma_wait3A_157 = tpu.memref_slice %arg4[%mul3A_54, %dma_wait3A_156] : memref<16384x2048xf32, #tpu.memory_space<hbm>> -> memref<16x2048xf32, #tpu.memory_space<hbm>>
    %dma_wait3A_158 = arith.constant 0 : i32
    %dma_wait3A_159 = tpu.memref_slice %arg4[%mul3A_54, %dma_wait3A_158] : memref<16384x2048xf32, #tpu.memory_space<hbm>> -> memref<16x2048xf32, #tpu.memory_space<hbm>>
    tpu.wait_dma2 semaphore(%arg15 : memref<!tpu.dma_semaphore, #tpu.memory_space<semaphore_mem>>) src(%arg9 : memref<16x2048xf32, #tpu.memory_space<vmem>>) dst(%dma_wait3A_159 : memref<16x2048xf32, #tpu.memory_space<hbm>>)
    return
  }
}

</mosaic_0001>

<sc_bundles>
// kernel: kernel.3.cloned.1.call-start
scs
__scs_entry_jumppad:
0x0: {  	(pc) =	sbr.rel $0x88, $3  }
0x1: {  	(tag) =	ssettag $0x0;
	lr =	simm.s32 $0x1  }
0x2: {  	[smem:$0x3F9F] =	sst lr;
	_ =	strace $0xD0000000  }
0x3: {  	_ = 	snop  }
0x4: {  	_ = 	snop  }
0x5: {  	_ = 	snop  }
0x6: {  	_ = 	snop  }
0x7: {  	_ = 	snop  }
__scs_overlays_trampoline_lowered:
0x8: {  	[smem:$0x3FAE] =	sst s0  }
0x9: {  	[smem:$0x3FAF] =	sst s1  }
0xa: {  	[smem:$0x3FB0] =	sst s2  }
0xb: {  	[smem:$0x3FB1] =	sst s3  }
0xc: {  	[smem:$0x3FB2] =	sst s4  }
0xd: {  	[smem:$0x3FB3] =	sst s5  }
0xe: {  	[smem:$0x3FB4] =	sst s6  }
0xf: {  	[smem:$0x3FB5] =	sst s7  }
0x10: {  	[smem:$0x3FB6] =	sst s8  }
0x11: {  	[smem:$0x3FB7] =	sst s9;
	s0 =	simm.s32 @!p0 $0x0  }
0x12: {  	s1 =	sld [smem:$0x3F9D];
	s0 =	simm.s32 @p0 $0x1  }
0x13: {  	[smem:$0x3FB8] =	sst s0;
	s0 =	simm.s32 @!p1 $0x0  }
0x14: {  	s2 =	sld [smem:$0x3F9C];
	s0 =	simm.s32 @p1 $0x1  }
0x15: {  	[smem:$0x3FB9] =	sst s0;
	s0 =	simm.s32 @!p2 $0x0  }
0x16: {  	s3 =	sld [smem:$0x3FDB];
	s0 =	simm.s32 @p2 $0x1  }
0x17: {  	s4 =	simm.s32 $0x1BF5;
	[smem:$0x3FBB] =	sst s0  }
0x18: {  	s0 =	sld [smem:$0x3F9E];
	_ =	swait.ge [sflag:s4], $0x0  }
0x19: {  	s7 =	sld [smem:$0x3F9F]  }
0x1a: {  	s8 =	sadd.s32 $0xFFFFE003, lr  }
0x1b: {  	s9 =	sadd.s32 $0xFFFFFEF7, lr;
	s5 =	simm.s32 $0xFFFFFFFF;
	p2 =	slt.u32 s8, $0xFFFFF086  }
0x1c: {  	p1 =	slt.u32 s9, $0xF7A;
	s5 =	simm.s32 @!p2 $0x0  }
0x1d: {  	s5 =	simm.s32 @p1 $0x1;
	p0 =	seq.s32 s7, s2  }
0x1e: {  	s7 =	smul.u32 @!p0 $0xF7A, s2;
	p2 =	seq.s32 @!p0 s5, $0x0  }
0x1f: {  	s9 =	smul.u32 $0xF7A, s1;
	s8 =	simm.s32 @!p0 $0x1BF5;
	p2 =	por !p2, p0  }
0x20: {  	[sflag:s8] =	ssyncset.s32 @!p0 $0xFFFFF086;
	s6 =	sadd.s32 @!p0 s3, s7;
	s7 =	simm.s32 @!p0 $0x108  }
0x21: {  	s3 =	sadd.s32 s3, s9;
	s6 =	sadd.s32 @!p0 $0x88, s6;
	s7 =	simm.s32 @p2 $0x1082  }
0x22: {  	[simem:s7], [sflag:s8] =	dma.local @!p0 [hbm:s6], $0xF7A  }
0x23: {  	s9 =	sor.u32 $0xD0000000, s2;
	s6 =	simm.s32 $0x108;
	_ =	swait.ge @!p0 [sflag:s8], $0x0  }
0x24: {  	s3 =	sadd.s32 $0x88, s3;
	s6 =	simm.s32 @!p1 $0x1082;
	[sflag:s4] =	ssyncset.s32 $0xFFFFF086  }
0x25: {  	[simem:s6], [sflag:s4] =	dma.local [hbm:s3], $0xF7A  }
0x26: {  	[smem:$0x3F9F] =	sst s1;
	(tag) =	ssettag s2;
	_ =	strace s9  }
0x27: {  	s1 =	sld [smem:$0x3FAF]  }
0x28: {  	s2 =	sld [smem:$0x3FB0]  }
0x29: {  	s4 =	sld [smem:$0x3FB2]  }
0x2a: {  	p0 =	seq.s32 s5, $0x0;
	s5 =	sld [smem:$0x3FB3]  }
0x2b: {  	s6 =	sld [smem:$0x3FB4]  }
0x2c: {  	s7 =	sld [smem:$0x3FB5]  }
0x2d: {  	s3 =	simm.s32 $0x108;
	s8 =	sld [smem:$0x3FB6]  }
0x2e: {  	s3 =	simm.s32 @!p0 $0x1082;
	s9 =	sld [smem:$0x3FB7]  }
0x2f: {  	lr =	sadd.s32 s0, s3;
	s0 =	sld [smem:$0x3FAE]  }
0x30: {  	s3 =	sld [smem:$0x3FB1]  }
0x31: {  	[smem:$0x3FBA] =	sst s10  }
0x32: {  	s10 =	sld [smem:$0x3FB8];
	_ =	sdelay $0x3  }
0x33: {  	p0 =	seq.s32 s10, $0x1;
	s10 =	sld [smem:$0x3FBA];
	_ =	sdelay $0x3  }
0x34: {  	[smem:$0x3FBA] =	sst s10  }
0x35: {  	s10 =	sld [smem:$0x3FB9];
	_ =	sdelay $0x3  }
0x36: {  	p1 =	seq.s32 s10, $0x1;
	s10 =	sld [smem:$0x3FBA];
	_ =	sdelay $0x3  }
0x37: {  	[smem:$0x3FBA] =	sst s10  }
0x38: {  	s10 =	sld [smem:$0x3FBB]  }
0x39: {  	_ = 	snop;
	(pc) =	sbr.ind lr, $3  }
0x3a: {  	_ = 	snop  }
0x3b: {  	_ = 	snop  }
0x3c: {  	p2 =	seq.s32 s10, $0x1;
	s10 =	sld [smem:$0x3FBA]  }
0x3d: {  	_ =	shalt  }
0x3e: {  	_ =	shalt  }
0x3f: {  	_ =	shalt  }
0x40: {  	_ =	shalt  }
0x41: {  	_ =	shalt  }
0x42: {  	_ =	shalt  }
0x43: {  	_ =	shalt  }
0x44: {  	_ =	shalt  }
0x45: {  	_ =	shalt  }
0x46: {  	_ =	shalt  }
0x47: {  	_ =	shalt  }
0x48: {  	_ =	shalt  }
0x49: {  	_ =	shalt  }
0x4a: {  	_ =	shalt  }
0x4b: {  	_ =	shalt  }
0x4c: {  	_ =	shalt  }
0x4d: {  	_ =	shalt  }
0x4e: {  	_ =	shalt  }
0x4f: {  	_ =	shalt  }
0x50: {  	_ =	shalt  }
0x51: {  	_ =	shalt  }
0x52: {  	_ =	shalt  }
0x53: {  	_ =	shalt  }
0x54: {  	_ =	shalt  }
0x55: {  	_ =	shalt  }
0x56: {  	_ =	shalt  }
0x57: {  	_ =	shalt  }
0x58: {  	_ =	shalt  }
0x59: {  	_ =	shalt  }
0x5a: {  	_ =	shalt  }
0x5b: {  	_ =	shalt  }
0x5c: {  	_ =	shalt  }
0x5d: {  	_ =	shalt  }
0x5e: {  	_ =	shalt  }
0x5f: {  	_ =	shalt  }
0x60: {  	_ =	shalt  }
0x61: {  	_ =	shalt  }
0x62: {  	_ =	shalt  }
0x63: {  	_ =	shalt  }
0x64: {  	_ =	shalt  }
0x65: {  	_ =	shalt  }
0x66: {  	_ =	shalt  }
0x67: {  	_ =	shalt  }
0x68: {  	_ =	shalt  }
0x69: {  	_ =	shalt  }
0x6a: {  	_ =	shalt  }
0x6b: {  	_ =	shalt  }
0x6c: {  	_ =	shalt  }
0x6d: {  	_ =	shalt  }
0x6e: {  	_ =	shalt  }
0x6f: {  	_ =	shalt  }
0x70: {  	_ =	shalt  }
0x71: {  	_ =	shalt  }
0x72: {  	_ =	shalt  }
0x73: {  	_ =	shalt  }
0x74: {  	_ =	shalt  }
0x75: {  	_ =	shalt  }
0x76: {  	_ =	shalt  }
0x77: {  	_ =	shalt  }
0x78: {  	_ =	shalt  }
0x79: {  	_ =	shalt  }
0x7a: {  	_ =	shalt  }
0x7b: {  	_ =	shalt  }
0x7c: {  	_ =	shalt  }
0x7d: {  	_ =	shalt  }
0x7e: {  	_ =	shalt  }
0x7f: {  	_ =	shalt  }
0x80: {  	_ =	shalt  }
0x81: {  	_ =	shalt  }
0x82: {  	_ =	shalt  }
0x83: {  	_ =	shalt  }
0x84: {  	_ =	shalt  }
0x85: {  	_ =	shalt  }
0x86: {  	_ =	shalt  }
0x87: {  	_ =	shalt  }
.Lfunc_end0:
.L_simem_size_0:
called_computation_lowered:
.L_overlay_start_0:
0x88: {  	s2 =	sld [smem:$0x3FD9]  }
0x89: {  	s3 =	sld [smem:$0x3FFE];
	_ =	sdelay $0x1  }
0x8a: {  	s1 =	srdreg.scid  }
0x8b: {  	s0 =	sand.u32 $0x1, s1  }
0x8c: {  	s17 =	sshll.u32 s0, $0xA;
	s2 =	sadd.s32 s3, s2  }
0x8d: {  	s2 =	sadd.s32 s2, s17  }
0x8e: {  	[smem:$0x3FC6] =	sst s2  }
0x8f: {  	_ = 	snop  }
0x90: {  	s2 =	sld [smem:$0x3FC8]  }
0x91: {  	s18 =	sld [smem:$0x3FD0];
	(tm) =	ssettm $0x1  }
0x92: {  	s4 =	sld [smem:$0x3FFB];
	_ =	sdelay $0x3  }
0x93: {  	_ =	strace s4  }
0x94: {  	s4 =	sld [smem:$0x3FFC];
	_ =	sdelay $0x3  }
0x95: {  	_ =	strace s4  }
0x96: {  	s4 =	sld [smem:$0x3FFD];
	_ =	sdelay $0x3  }
0x97: {  	_ =	strace s4  }
0x98: {  	_ =	strace $0x8FFFFFFF  }
0x99: {  	s19 =	sld [smem:$0x3FDB];
	_ =	sdelay $0x1  }
0x9a: {  	s5 =	simm.s32 $_scs_section_size  }
0x9b: {  	s6 =	simm.s32 $_size__tile_overlayer_lowered;
	s7 =	simm.s32 $_tile_overlayer_lowered  }
0x9c: {  	s22 =	simm.s32 $0x1BFF;
	s21 =	sshll.u32 s7, $0x1;
	s4 =	sadd.s32 s5, s19  }
0x9d: {  	s8 =	simm.s32 $0x0;
	s20 =	sshll.u32 s6, $0x1;
	s6 =	sadd.s32 s21, s4  }
0x9e: {  	[timem:s8], [sflag:s22] =	dma.local [hbm:s6], s20  }
0x9f: {  	_ =	swait.ge [sflag:s22], s20  }
0xa0: {  	s5 =	ssub.s32 $0x0, s20;
	[sflag:s22] =	ssyncset.done $0x0  }
0xa1: {  	[sflag:s22] =	ssyncadd.s32 s5;
	_ =	sdelay $0x1  }
0xa2: {  	s23 =	simm.s32 $0x1B8B  }
0xa3: {  	_ =	swait.ge [sflag:s23], $0x1  }
0xa4: {  	[sflag:s23] =	ssyncset.done $0x0  }
0xa5: {  	s25 =	simm.s32 $0x1B8E;
	s24 =	sld [smem:$0x3FFE];
	[sflag:s23] =	ssyncadd.s32 $0xFFFFFFFF  }
0xa6: {  	s26 =	simm.s32 $execute0_lowered;
	[smem:$0x3FD2] =	sst s25  }
0xa7: {  	s6 =	sshll.u32 s26, $0x1;
	_ =	strace $0x80000046;
	[dreg:$0x1] =	wrdreg $0xFFFFFFFF  }
0xa8: {  	s28 =	simm.s32 $_size_execute0_lowered;
	s4 =	sadd.s32 s4, s6;
	[dreg:$0x0] =	wrdreg $0x0  }
0xa9: {  	s6 =	sshll.u32 s28, $0x1;
	[dreg:$0x2] =	wrdreg s4  }
0xaa: {  	[dreg:$0x3] =	wrdreg s6  }
0xab: {  	[dreg:$0x4] =	wrdreg $0xC0  }
0xac: {  	_ =	task [dreg:s8], $0x5FFFF  }
0xad: {  	[dreg:$0x1] =	wrdreg $0xFFFFFFFF  }
0xae: {  	[dreg:$0x0] =	wrdreg $0x60  }
0xaf: {  	[dreg:$0x2] =	wrdreg s24  }
0xb0: {  	[dreg:$0x3] =	wrdreg s2  }
0xb1: {  	[dreg:$0x4] =	wrdreg s18  }
0xb2: {  	[dreg:$0x5] =	wrdreg $0x9  }
0xb3: {  	_ =	task.clear_ibuf [dreg:s8], $0x6FFFF;
	_ =	strace $0x90000046  }
0xb4: {  	s29 =	simm.s32 $0x9;
	_ =	strace $0x80000048  }
0xb5: {  	_ =	swait.ge [sflag:s29], $0x1  }
0xb6: {  	[sflag:s29] =	ssyncadd.s32 $0xFFFFFFFF  }
0xb7: {  	_ =	strace $0x90000048  }
0xb8: {  	_ =	sfence  }
0xb9: {  	s30 =	sld [smem:$0x0];
	_ =	sdelay $0x2  }
0xba: {  	s31 =	sshll.u32 s1, $0xD;
	s1 =	sshrl.u32 s1, $0x2  }
0xbb: {  	s3 =	sand.u32 $0x4000, s31;
	s1 =	sadd.s32 s1, s30  }
0xbc: {  	s0 =	sor.u32 s3, s0;
	s1 =	sshll.u32 s1, $0x11  }
0xbd: {  	s0 =	sor.u32 s1, s0  }
0xbe: {  	s0 =	sadd.s32 $0x8F2B, s0  }
0xbf: {  	[sflag:s0] =	ssyncadd.remote.s32 $0x1  }
0xc0: {  	_ =	sfence.sel $0xFFFF  }
0xc1: {  	[dreg:$0x0] =	wrdreg $0xFFFFFFFF;
	(pc) =	sbr.abs _section_cstart, $3  }
0xc2: {  	[dreg:$0x1] =	wrdreg $0xFFFFFFFF  }
0xc3: {  	_ =	task.clear_ibuf [dreg:s8], $0x2FFFF;
	_ =	strace $0x9FFFFFFF  }
0xc4: {  	(tm) =	ssettm $0x7FFFFFFF  }
0xc5: {  	_ =	shalt  }
tec
execute0_lowered:
.L_overlay_start_1:
0x0: {  	(tag) =	ssettag $0x1  }
0x1: {  	s0 =	rddreg [dreg:$0x0]  }
0x2: {  	s1 =	rddreg [dreg:$0x1]  }
0x3: {  	s2 =	rddreg [dreg:$0x2];
	s3 =	simm.s32 $0x0  }
0x4: {  	s15 =	stileid.u32;
	s4 =	srdreg.scid;
	s19 =	simm.s32 $0x2  }
0x5: {  	s17 =	simm.s32 $0x1200;
	[smem:$0x7FF] =	sst s3;
	s5 =	sshll.u32 s15, $0x7  }
0x6: {  	s4 =	sand.u32 $0x1, s4;
	s7 =	sshll.u32 s15, $0x1;
	s8 =	sadd.s32 $0x300, s1  }
0x7: {  	s9 =	sadd.s32 $0x400, s1;
	s11 =	sadd.s32 $0x600, s1;
	s13 =	sadd.s32 $0x700, s1  }
0x8: {  	s28 =	sshll.u32 s15, $0x12;
	s15 =	sand.u32 $0x3, s15;
	_ =	strace $0x80000047  }
0x9: {  	s5 =	sand.u32 $0x600, s5;
	s6 =	ssub.s32 $0x2, s4;
	s10 =	sor.u32 s4, s7  }
0xa: {  	s7 =	sadd.s32 $0x200, s1;
	s29 =	sshll.u32 s4, $0x11;
	s15 =	sshll.u32 s15, $0x6  }
0xb: {  	s4 =	sshll.u32 s4, $0x5;
	s0 =	sadd.s32 s5, s0;
	s23 =	sshrl.u32 s6, $0x1  }
0xc: {  	s14 =	sand.u32 $0x7, s10;
	s24 =	sshll.u32 s10, $0x11;
	s31 =	sor.u32 s4, s15  }
0xd: {  	s10 =	sadd.s32 $0x500, s1;
	s0 =	sadd.s32 $0x400, s0;
	[dreg:$0xc] =	wrdreg s31  }
0xe: {  	s12 =	ssub.s32 s6, s23;
	[dreg:$0x5] =	wrdreg s0;
	s0 =	sadd.s32 s2, s24  }
0xf: {  	s4 =	simm.s32 $0x1;
	s30 =	smax.u32 s12, $0x1;
	[dreg:$0x6] =	wrdreg s0  }
0x10: {  	s5 =	sshll.u32 s14, $0x9;
	s16 =	sadd.s32 $0x1000, s0;
	[dreg:$0xb] =	wrdreg s30  }
0x11: {  	s6 =	sadd.s32 $0x100, s1;
	s25 =	sadd.s32 $0x2000, s0;
	[dreg:$0x7] =	wrdreg s16  }
0x12: {  	p0 =	seq.s32 s14, $0x0;
	s26 =	sadd.s32 $0x1E000, s0;
	[dreg:$0x8] =	wrdreg s25  }
0x13: {  	s23 =	simm.s32 $0x8A00;
	s0 =	sadd.s32 $0x1F000, s0;
	[dreg:$0x9] =	wrdreg s26  }
0x14: {  	v3 =	vlaneseq.u32;
	[dreg:$0xa] =	wrdreg s0;
	s0 =	sadd.s32 s28, s2;
	s25 =	simm.s32 $0x4  }
0x15: {  	v0 =	vimm.s32 $0x0;
	vm0 =	vmmov $0xffff;
	v2 =	vshrl.u32 v3, $0x3;
	s26 =	simm.s32 $0x5;
	s2 =	simm.s32 $0x0;
	s0 =	sadd.s32 s29, s0  }
0x16: {  	v1 =	vand.u32 $0x7, v3;
	v3 =	vor.u32 $0x8, v3;
	v2 =	vmul.u32 $0x8, v2;
	s16 =	simm.s32 $0x11200;
	[dreg:$0x4] =	wrdreg s0;
	s0 =	simm.s32 $0x1200  }
.LBB2_1:
.Ltmp0:
0x17: {  	s15 =	rddreg [dreg:$0x5];
	s31 =	simm.s32 $0x7;
	(pc) =	sbr.rel @p0 .LBB2_15-.Ltmp0, $4  }
0x18: {  	[tilespmem:s3], [sflag:$0x7] =	stream.linear.gather [hbm4b:s15+s3], $0x1000, $0x38;
	[tilespmem:$0x19200] =	vst v63  }
0x19: {  	_ =	swait.ge [sflag:s31], $0x1000  }
0x1a: {  	[sflag:s31] =	ssyncset.done $0x0  }
0x1b: {  	s15 =	simm.s32 $0x0;
	[sflag:s31] =	ssyncadd.s32 $0xFFFFF000  }
0x1c: {  	s15 =	rddreg [dreg:$0xc]  }
0x1d: {  	v4 =	vld [tilespmem:s3+$0x0];
	p5 =	sne.s32 s15, $0x1  }
.Ltmp1:
0x1e: {  	_ = 	snop;
	(pc) =	sbr.rel @!p5 .LBB2_3-.Ltmp1, $3  }
0x1f: {  	_ =	sdelay $0x1  }
0x20: {  	p1 =	por $0x0, $0x0;
	p2 =	por $0x0, $0x0;
	p3 =	por $0x0, $0x0  }
0x21: {  	p4 =	por $0x0, $0x0;
	s22 =	sadd.s32 $0xFFFFFFFF, s15;
	s15 =	sadd.s32 $0x10, s3;
	vm1 =	vne.s32 v4, $0x0  }
0x22: {  	v4 =	vld [tilespmem:s15+$0x0];
	p5 =	sne.s32 s22, $0x1  }
.Ltmp2:
0x23: {  	_ = 	snop;
	(pc) =	sbr.rel @!p5 .LBB2_5-.Ltmp2, $3  }
0x24: {  	_ =	sdelay $0x1  }
0x25: {  	v5 =	vsel vm1, $0x1, v0  }
0x26: {  	s22 =	sadd.s32 $0xFFFFFFFF, s22;
	s15 =	sadd.s32 $0x10, s15;
	p1 =	por $0x1, $0x1;
	(xrf0) =	vadd.scan.msk.s32 $0xffff, v5;
	vm1 =	vne.s32 v4, $0x0  }
0x27: {  	_ = 	snop  }
0x28: {  	v4 =	vld [tilespmem:s15+$0x0];
	p5 =	sne.s32 s22, $0x1  }
.Ltmp3:
0x29: {  	_ = 	snop;
	(pc) =	sbr.rel @!p5 .LBB2_7-.Ltmp3, $3  }
0x2a: {  	_ =	sdelay $0x1  }
0x2b: {  	v5 =	vsel vm1, $0x1, v0;
	v6, _, _ =	vpop (xrf0)  }
0x2c: {  	s22 =	sadd.s32 $0xFFFFFFFF, s22;
	s15 =	sadd.s32 $0x10, s15;
	p2 =	por $0x1, $0x1;
	(xrf0) =	vadd.scan.msk.s32 $0xffff, v5;
	vm1 =	vne.s32 v4, $0x0;
	(v2sf) =	vpush v6, $0xF  }
0x2d: {  	_ =	sdelay $0x4  }
0x2e: {  	v6, _, _ =	vpop (xrf0)  }
0x2f: {  	(v2sf) =	vpush v6, $0xF;
	_ =	sdelay $0x3  }
0x30: {  	v4 =	vld [tilespmem:s15+$0x0];
	p5 =	sne.s32 s22, $0x1  }
.Ltmp4:
0x31: {  	_ = 	snop;
	(pc) =	sbr.rel @!p5 .LBB2_9-.Ltmp4, $3  }
0x32: {  	_ =	sdelay $0x1  }
0x33: {  	v5 =	vsel vm1, $0x1, v0  }
0x34: {  	s22 =	sadd.s32 $0xFFFFFFFF, s22;
	s15 =	sadd.s32 $0x10, s15;
	p3 =	por $0x1, $0x1;
	(xrf0) =	vadd.scan.msk.s32 $0xffff, v5;
	vm1 =	vne.s32 v4, $0x0  }
0x35: {  	_ =	sdelay $0x4  }
0x36: {  	v6, _, _ =	vpop (xrf0)  }
0x37: {  	(v2sf) =	vpush v6, $0xF;
	_ =	sdelay $0x2  }
0x38: {  	v4 =	vld [tilespmem:s15+$0x0];
	p5 =	sne.s32 s22, $0x1;
	v5 =	vsel vm1, $0x1, v0  }
.Ltmp5:
0x39: {  	(xrf0) =	vadd.scan.msk.s32 $0xffff, v5;
	(pc) =	sbr.rel @!p5 .LBB2_11-.Ltmp5, $3  }
0x3a: {  	_ =	sdelay $0x1  }
0x3b: {  	s22 =	sadd.s32 $0xFFFFFFFF, s22;
	s29 =	sadd.s32 $0x10, s15  }
0x3c: {  	s28 =	spop (v2sf);
	p4 =	por $0x1, $0x1;
	s15 =	simm.s32 $0x0;
	vm1 =	vne.s32 v4, $0x0  }
.LBB2_12:
0x3d: {  	v4 =	vld [tilespmem:s29+$0x0];
	p5 =	sne.s32 s22, $0x1;
	s22 =	sadd.s32 $0xFFFFFFFF, s22;
	v6 =	vsel vm1, $0x1, v0;
	s15 =	sadd.s32 s15, s28  }
.Ltmp6:
0x3e: {  	(xrf0) =	vadd.scan.msk.s32 $0xffff, v6;
	v5, _, _ =	vpop (xrf0);
	(pc) =	sbr.rel @p5 .LBB2_12-.Ltmp6, $2  }
0x3f: {  	(v2sf) =	vpush v5, $0xF;
	_ =	sdelay $0x3  }
0x40: {  	s29 =	sadd.s32 $0x10, s29;
	vm1 =	vne.s32 v4, $0x0;
	s28 =	spop (v2sf)  }
0x41: {  	_ = 	snop  }
.LBB2_14:
0x42: {  	v4 =	vsel vm1, $0x1, v0  }
0x43: {  	(xrf0) =	vadd.scan.msk.s32 $0xffff, v4;
	_ =	sdelay $0x2  }
0x44: {  	v4, _, _ =	vpop @p1 (xrf0)  }
0x45: {  	(v2sf) =	vpush @p1 v4, $0xF;
	_ =	sdelay $0x1  }
0x46: {  	v4, _, _ =	vpop (xrf0)  }
0x47: {  	(v2sf) =	vpush v4, $0xF;
	_ =	sdelay $0x7  }
0x48: {  	s22 =	spop @p3 (v2sf);
	s15 =	sadd.s32 @p4 s15, s28;
	s28 =	simm.s32 $0x0  }
0x49: {  	s22 =	smov.u32 @p3 s22;
	s28 =	smov.u32 @p4 s15  }
0x4a: {  	s15 =	sadd.s32 @p3 s28, s22;
	s28 =	simm.s32 $0x0;
	s22 =	spop @p2 (v2sf)  }
0x4b: {  	s28 =	smov.u32 @p3 s15;
	s22 =	smov.u32 @p2 s22  }
0x4c: {  	s15 =	sadd.s32 @p2 s28, s22;
	s28 =	simm.s32 $0x0;
	s22 =	spop @p1 (v2sf)  }
0x4d: {  	s28 =	smov.u32 @p2 s15;
	s22 =	smov.u32 @p1 s22  }
0x4e: {  	s15 =	sadd.s32 @p1 s28, s22;
	s22 =	simm.s32 $0x0  }
0x4f: {  	s22 =	smov.u32 @p1 s15;
	s31 =	spop (v2sf)  }
0x50: {  	s15 =	sadd.s32 s22, s31  }
.LBB2_15:
0x51: {  	s22 =	simm.s32 $0x0  }
0x52: {  	s28 =	sand.u32 $0x180, s22  }
0x53: {  	s22 =	sand.u32 $0x70, s22;
	s28 =	sadd.s32 s28, s5  }
0x54: {  	s22 =	sadd.s32 s22, s28  }
0x55: {  	v4 =	vld [tilespmem:s22+$0x0];
	_ =	sdelay $0x4  }
0x56: {  	vm1 =	vne.s32 v4, $0x0  }
0x57: {  	v4 =	vsel vm1, $0x1, v0  }
0x58: {  	(xrf0) =	vadd.scan.msk.s32 $0xffff, v4;
	_ =	sdelay $0x5  }
0x59: {  	[dreg:$0xd] =	wrdreg s2;
	s22 =	simm.s32 $0x10;
	v5, _, _ =	vpop (xrf0)  }
0x5a: {  	s29 =	simm.s32 $0x20;
	s28 =	simm.s32 $0x1000;
	s30 =	sand.u32 $0x180, s22;
	v4 =	vadd.s32 s15, v5;
	(v2sf) =	vpush v5, $0xF  }
.LBB2_16:
0x5b: {  	p1 =	sne.s32 s29, $0x1F0;
	s22 =	sand.u32 $0x70, s22;
	s30 =	sadd.s32 s30, s5;
	v4 =	vnsel vm1, $0x0, v4  }
0x5c: {  	s30 =	sadd.s32 s22, s30;
	[tilespmem:s28+$0x0] =	vst v4;
	s22 =	smov.u32 s29  }
0x5d: {  	v4 =	vld [tilespmem:s30+$0x0];
	_ =	sdelay $0x4  }
0x5e: {  	vm1 =	vne.s32 v4, $0x0  }
0x5f: {  	v4 =	vsel vm1, $0x1, v0  }
0x60: {  	(xrf0) =	vadd.scan.msk.s32 $0xffff, v4;
	_ =	sdelay $0x2  }
.Ltmp7:
0x61: {  	(pc) =	sbr.rel @p1 .LBB2_16-.Ltmp7, $4  }
0x62: {  	_ = 	snop  }
0x63: {  	s30 =	spop (v2sf)  }
0x64: {  	v5, _, _ =	vpop (xrf0);
	s15 =	sadd.s32 s15, s30  }
0x65: {  	s29 =	sadd.s32 $0x10, s29;
	s28 =	sadd.s32 $0x10, s28;
	s30 =	sand.u32 $0x180, s22;
	v4 =	vadd.s32 s15, v5;
	(v2sf) =	vpush v5, $0xF  }
0x66: {  	s22 =	sand.u32 $0x70, s22;
	s29 =	sadd.s32 s30, s5;
	v4 =	vnsel vm1, $0x0, v4  }
0x67: {  	s22 =	sadd.s32 s22, s29;
	[tilespmem:s28+$0x0] =	vst v4  }
0x68: {  	v4 =	vld [tilespmem:s22+$0x0];
	_ =	sdelay $0x4  }
0x69: {  	vm1 =	vne.s32 v4, $0x0  }
0x6a: {  	v4 =	vsel vm1, $0x1, v0  }
0x6b: {  	(xrf0) =	vadd.scan.msk.s32 $0xffff, v4;
	_ =	sdelay $0x4  }
0x6c: {  	s12 =	spop (v2sf)  }
0x6d: {  	s15 =	sadd.s32 s15, s12;
	v4, _, _ =	vpop (xrf0)  }
0x6e: {  	v5 =	vadd.s32 s15, v4  }
0x6f: {  	s14 =	sadd.s32 $0x10, s28;
	v5 =	vnsel vm1, $0x0, v5  }
0x70: {  	[tilespmem:s14+$0x0] =	vst v5  }
0x71: {  	v5 =	vld [tilespmem:$0x1000];
	_ =	sdelay $0x4  }
0x72: {  	v6 =	vshll.u32 v5, $0x4  }
0x73: {  	v5 =	vand.u32 $0x7, v5;
	v6 =	vand.u32 $0xFFFFFF80, v6  }
0x74: {  	v5 =	vor.u32 v5, v6  }
0x75: {  	v6 =	vperm.xlane v5, v1;
	_ =	sdelay $0x1  }
0x76: {  	v6 =	vadd.s32 v2, v6;
	_ =	sdelay $0x3  }
0x77: {  	s28 =	simm.s32 $0x0  }
0x78: {  	[tilespmem:s0], [sflag:$0x1] =	stream.indirect_vreg.gather [hbm4b:s1+s28], $0x80, v6, vm0, $0xb8;
	[tilespmem:$0x19200] =	vst v63  }
0x79: {  	s29 =	simm.s32 $0x1A00  }
0x7a: {  	[tilespmem:s29], [sflag:$0x1] =	stream.indirect_vreg.gather [hbm4b:s6+s28], $0x80, v6, vm0, $0xb8;
	[tilespmem:$0x19200] =	vst v63  }
0x7b: {  	s22 =	simm.s32 $0x2200  }
0x7c: {  	[tilespmem:s22], [sflag:$0x1] =	stream.indirect_vreg.gather [hbm4b:s7+s28], $0x80, v6, vm0, $0xb8;
	[tilespmem:$0x19200] =	vst v63  }
0x7d: {  	s2 =	simm.s32 $0x2A00  }
0x7e: {  	[tilespmem:s2], [sflag:$0x1] =	stream.indirect_vreg.gather [hbm4b:s8+s28], $0x80, v6, vm0, $0xb8;
	[tilespmem:$0x19200] =	vst v63  }
0x7f: {  	s14 =	simm.s32 $0x3200  }
0x80: {  	[tilespmem:s14], [sflag:$0x1] =	stream.indirect_vreg.gather [hbm4b:s9+s28], $0x80, v6, vm0, $0xb8;
	[tilespmem:$0x19200] =	vst v63  }
0x81: {  	s18 =	simm.s32 $0x3A00;
	v5 =	vperm.xlane v5, v3  }
0x82: {  	[tilespmem:s18], [sflag:$0x1] =	stream.indirect_vreg.gather [hbm4b:s10+s28], $0x80, v6, vm0, $0xb8;
	[tilespmem:$0x19200] =	vst v63  }
0x83: {  	s20 =	simm.s32 $0x4200;
	v5 =	vadd.s32 v2, v5  }
0x84: {  	[tilespmem:s20], [sflag:$0x1] =	stream.indirect_vreg.gather [hbm4b:s11+s28], $0x80, v6, vm0, $0xb8;
	[tilespmem:$0x19200] =	vst v63  }
0x85: {  	s21 =	simm.s32 $0x4A00  }
0x86: {  	[tilespmem:s21], [sflag:$0x1] =	stream.indirect_vreg.gather [hbm4b:s13+s28], $0x80, v6, vm0, $0xb8;
	[tilespmem:$0x19200] =	vst v63  }
0x87: {  	s24 =	simm.s32 $0x5200  }
0x88: {  	[tilespmem:s24], [sflag:$0x1] =	stream.indirect_vreg.gather [hbm4b:s1+s28], $0x80, v5, vm0, $0xb8;
	[tilespmem:$0x19200] =	vst v63  }
0x89: {  	s30 =	simm.s32 $0x5A00  }
0x8a: {  	[tilespmem:s30], [sflag:$0x1] =	stream.indirect_vreg.gather [hbm4b:s6+s28], $0x80, v5, vm0, $0xb8;
	[tilespmem:$0x19200] =	vst v63  }
0x8b: {  	s15 =	simm.s32 $0x6200  }
0x8c: {  	[tilespmem:s15], [sflag:$0x1] =	stream.indirect_vreg.gather [hbm4b:s7+s28], $0x80, v5, vm0, $0xb8;
	[tilespmem:$0x19200] =	vst v63  }
0x8d: {  	s12 =	simm.s32 $0x6A00  }
0x8e: {  	[tilespmem:s12], [sflag:$0x1] =	stream.indirect_vreg.gather [hbm4b:s8+s28], $0x80, v5, vm0, $0xb8;
	[tilespmem:$0x19200] =	vst v63  }
0x8f: {  	s15 =	simm.s32 $0x7200  }
0x90: {  	[tilespmem:s15], [sflag:$0x1] =	stream.indirect_vreg.gather [hbm4b:s9+s28], $0x80, v5, vm0, $0xb8;
	[tilespmem:$0x19200] =	vst v63  }
0x91: {  	s12 =	simm.s32 $0x7A00  }
0x92: {  	[tilespmem:s12], [sflag:$0x1] =	stream.indirect_vreg.gather [hbm4b:s10+s28], $0x80, v5, vm0, $0xb8;
	[tilespmem:$0x19200] =	vst v63  }
0x93: {  	s15 =	simm.s32 $0x8200  }
0x94: {  	[tilespmem:s15], [sflag:$0x1] =	stream.indirect_vreg.gather [hbm4b:s11+s28], $0x80, v5, vm0, $0xb8;
	[tilespmem:$0x19200] =	vst v63  }
0x95: {  	_ = 	snop  }
0x96: {  	[tilespmem:s23], [sflag:$0x1] =	stream.indirect_vreg.gather [hbm4b:s13+s28], $0x80, v5, vm0, $0xb8;
	[tilespmem:$0x19200] =	vst v63  }
0x97: {  	v5 =	vld [tilespmem:$0x1010];
	_ =	sdelay $0x4  }
0x98: {  	v63 =	vshll.u32 v5, $0x4  }
0x99: {  	v5 =	vand.u32 $0x7, v5;
	v6 =	vand.u32 $0xFFFFFF80, v63  }
0x9a: {  	v5 =	vor.u32 v5, v6  }
0x9b: {  	v6 =	vperm.xlane v5, v1;
	_ =	sdelay $0x1  }
0x9c: {  	v6 =	vadd.s32 v2, v6;
	_ =	sdelay $0x3  }
0x9d: {  	s23 =	simm.s32 $0x9200  }
0x9e: {  	[tilespmem:s23], [sflag:$0x2] =	stream.indirect_vreg.gather [hbm4b:s1+s28], $0x80, v6, vm0, $0xb8;
	[tilespmem:$0x19200] =	vst v63  }
0x9f: {  	s31 =	simm.s32 $0x9A00  }
0xa0: {  	[tilespmem:s31], [sflag:$0x2] =	stream.indirect_vreg.gather [hbm4b:s6+s28], $0x80, v6, vm0, $0xb8;
	[tilespmem:$0x19200] =	vst v63  }
0xa1: {  	s0 =	simm.s32 $0xA200  }
0xa2: {  	[tilespmem:s0], [sflag:$0x2] =	stream.indirect_vreg.gather [hbm4b:s7+s28], $0x80, v6, vm0, $0xb8;
	[tilespmem:$0x19200] =	vst v63  }
0xa3: {  	s0 =	simm.s32 $0xAA00  }
0xa4: {  	[tilespmem:s0], [sflag:$0x2] =	stream.indirect_vreg.gather [hbm4b:s8+s28], $0x80, v6, vm0, $0xb8;
	[tilespmem:$0x19200] =	vst v63  }
0xa5: {  	s0 =	simm.s32 $0xB200  }
0xa6: {  	[tilespmem:s0], [sflag:$0x2] =	stream.indirect_vreg.gather [hbm4b:s9+s28], $0x80, v6, vm0, $0xb8;
	[tilespmem:$0x19200] =	vst v63  }
0xa7: {  	v5 =	vperm.xlane v5, v3;
	s0 =	simm.s32 $0xBA00  }
0xa8: {  	[tilespmem:s0], [sflag:$0x2] =	stream.indirect_vreg.gather [hbm4b:s10+s28], $0x80, v6, vm0, $0xb8;
	[tilespmem:$0x19200] =	vst v63  }
0xa9: {  	v5 =	vadd.s32 v2, v5;
	s0 =	simm.s32 $0xC200  }
0xaa: {  	[tilespmem:s0], [sflag:$0x2] =	stream.indirect_vreg.gather [hbm4b:s11+s28], $0x80, v6, vm0, $0xb8;
	[tilespmem:$0x19200] =	vst v63  }
0xab: {  	s0 =	simm.s32 $0xCA00  }
0xac: {  	(v2sf) =	vpush v4, $0xF;
	[tilespmem:s0], [sflag:$0x2] =	stream.indirect_vreg.gather [hbm4b:s13+s28], $0x80, v6, vm0, $0xb8;
	[tilespmem:$0x19200] =	vst v63  }
0xad: {  	s0 =	simm.s32 $0xD200  }
0xae: {  	[tilespmem:s0], [sflag:$0x2] =	stream.indirect_vreg.gather [hbm4b:s1+s28], $0x80, v5, vm0, $0xb8;
	[tilespmem:$0x19200] =	vst v63  }
0xaf: {  	s0 =	simm.s32 $0xDA00  }
0xb0: {  	[tilespmem:s0], [sflag:$0x2] =	stream.indirect_vreg.gather [hbm4b:s6+s28], $0x80, v5, vm0, $0xb8;
	[tilespmem:$0x19200] =	vst v63  }
0xb1: {  	s0 =	simm.s32 $0xE200  }
0xb2: {  	[tilespmem:s0], [sflag:$0x2] =	stream.indirect_vreg.gather [hbm4b:s7+s28], $0x80, v5, vm0, $0xb8;
	[tilespmem:$0x19200] =	vst v63  }
0xb3: {  	s0 =	simm.s32 $0xEA00  }
0xb4: {  	[tilespmem:s0], [sflag:$0x2] =	stream.indirect_vreg.gather [hbm4b:s8+s28], $0x80, v5, vm0, $0xb8;
	[tilespmem:$0x19200] =	vst v63  }
0xb5: {  	s0 =	simm.s32 $0xF200  }
0xb6: {  	[tilespmem:s0], [sflag:$0x2] =	stream.indirect_vreg.gather [hbm4b:s9+s28], $0x80, v5, vm0, $0xb8;
	[tilespmem:$0x19200] =	vst v63  }
0xb7: {  	s0 =	simm.s32 $0xFA00  }
0xb8: {  	[tilespmem:s0], [sflag:$0x2] =	stream.indirect_vreg.gather [hbm4b:s10+s28], $0x80, v5, vm0, $0xb8;
	[tilespmem:$0x19200] =	vst v63  }
0xb9: {  	s0 =	simm.s32 $0x10200  }
0xba: {  	[tilespmem:s0], [sflag:$0x2] =	stream.indirect_vreg.gather [hbm4b:s11+s28], $0x80, v5, vm0, $0xb8;
	[tilespmem:$0x19200] =	vst v63  }
0xbb: {  	s15 =	simm.s32 $0x10A00;
	s0 =	spop (v2sf)  }
0xbc: {  	[tilespmem:s15], [sflag:$0x2] =	stream.indirect_vreg.gather [hbm4b:s13+s28], $0x80, v5, vm0, $0xb8;
	[tilespmem:$0x19200] =	vst v63  }
0xbd: {  	_ =	swait.ge [sflag:s4], $0x8000  }
0xbe: {  	[sflag:s4] =	ssyncset.done $0x0  }
0xbf: {  	[sflag:s4] =	ssyncadd.s32 $0xFFFF8000;
	s4 =	rddreg [dreg:$0x6]  }
0xc0: {  	[hbm4b:s4+s28] =	stream.linear.scatter [tilespmem:s17], [sflag:$0x4], $0x8000, $0x38;
	[tilespmem:$0x19200] =	vst v63  }
0xc1: {  	v4 =	vld [tilespmem:$0x1020];
	_ =	sdelay $0x4  }
0xc2: {  	v5 =	vshll.u32 v4, $0x4  }
0xc3: {  	v4 =	vand.u32 $0x7, v4;
	v5 =	vand.u32 $0xFFFFFF80, v5  }
0xc4: {  	v4 =	vor.u32 v4, v5  }
0xc5: {  	v5 =	vperm.xlane v4, v1;
	_ =	sdelay $0x1  }
0xc6: {  	v5 =	vadd.s32 v2, v5;
	_ =	sdelay $0x4  }
0xc7: {  	[tilespmem:s16], [sflag:$0x3] =	stream.indirect_vreg.gather [hbm4b:s1+s28], $0x80, v5, vm0, $0xb8;
	[tilespmem:$0x19200] =	vst v63  }
0xc8: {  	s15 =	simm.s32 $0x11A00  }
0xc9: {  	[tilespmem:s15], [sflag:$0x3] =	stream.indirect_vreg.gather [hbm4b:s6+s28], $0x80, v5, vm0, $0xb8;
	[tilespmem:$0x19200] =	vst v63  }
0xca: {  	s4 =	simm.s32 $0x12200  }
0xcb: {  	[tilespmem:s4], [sflag:$0x3] =	stream.indirect_vreg.gather [hbm4b:s7+s28], $0x80, v5, vm0, $0xb8;
	[tilespmem:$0x19200] =	vst v63  }
0xcc: {  	s15 =	simm.s32 $0x12A00  }
0xcd: {  	[tilespmem:s15], [sflag:$0x3] =	stream.indirect_vreg.gather [hbm4b:s8+s28], $0x80, v5, vm0, $0xb8;
	[tilespmem:$0x19200] =	vst v63  }
0xce: {  	s4 =	simm.s32 $0x13200  }
0xcf: {  	[tilespmem:s4], [sflag:$0x3] =	stream.indirect_vreg.gather [hbm4b:s9+s28], $0x80, v5, vm0, $0xb8;
	[tilespmem:$0x19200] =	vst v63  }
0xd0: {  	v4 =	vperm.xlane v4, v3;
	s15 =	simm.s32 $0x13A00  }
0xd1: {  	[tilespmem:s15], [sflag:$0x3] =	stream.indirect_vreg.gather [hbm4b:s10+s28], $0x80, v5, vm0, $0xb8;
	[tilespmem:$0x19200] =	vst v63  }
0xd2: {  	v4 =	vadd.s32 v2, v4;
	s4 =	simm.s32 $0x14200  }
0xd3: {  	[tilespmem:s4], [sflag:$0x3] =	stream.indirect_vreg.gather [hbm4b:s11+s28], $0x80, v5, vm0, $0xb8;
	[tilespmem:$0x19200] =	vst v63  }
0xd4: {  	s15 =	simm.s32 $0x14A00  }
0xd5: {  	[tilespmem:s15], [sflag:$0x3] =	stream.indirect_vreg.gather [hbm4b:s13+s28], $0x80, v5, vm0, $0xb8;
	[tilespmem:$0x19200] =	vst v63  }
0xd6: {  	s4 =	simm.s32 $0x15200  }
0xd7: {  	[tilespmem:s4], [sflag:$0x3] =	stream.indirect_vreg.gather [hbm4b:s1+s28], $0x80, v4, vm0, $0xb8;
	[tilespmem:$0x19200] =	vst v63  }
0xd8: {  	s15 =	simm.s32 $0x15A00  }
0xd9: {  	[tilespmem:s15], [sflag:$0x3] =	stream.indirect_vreg.gather [hbm4b:s6+s28], $0x80, v4, vm0, $0xb8;
	[tilespmem:$0x19200] =	vst v63  }
0xda: {  	s4 =	simm.s32 $0x16200  }
0xdb: {  	[tilespmem:s4], [sflag:$0x3] =	stream.indirect_vreg.gather [hbm4b:s7+s28], $0x80, v4, vm0, $0xb8;
	[tilespmem:$0x19200] =	vst v63  }
0xdc: {  	s15 =	simm.s32 $0x16A00  }
0xdd: {  	[tilespmem:s15], [sflag:$0x3] =	stream.indirect_vreg.gather [hbm4b:s8+s28], $0x80, v4, vm0, $0xb8;
	[tilespmem:$0x19200] =	vst v63  }
0xde: {  	s4 =	simm.s32 $0x17200  }
0xdf: {  	[tilespmem:s4], [sflag:$0x3] =	stream.indirect_vreg.gather [hbm4b:s9+s28], $0x80, v4, vm0, $0xb8;
	[tilespmem:$0x19200] =	vst v63  }
0xe0: {  	s15 =	simm.s32 $0x17A00  }
0xe1: {  	[tilespmem:s15], [sflag:$0x3] =	stream.indirect_vreg.gather [hbm4b:s10+s28], $0x80, v4, vm0, $0xb8;
	[tilespmem:$0x19200] =	vst v63  }
0xe2: {  	s4 =	simm.s32 $0x18200  }
0xe3: {  	[tilespmem:s4], [sflag:$0x3] =	stream.indirect_vreg.gather [hbm4b:s11+s28], $0x80, v4, vm0, $0xb8;
	[tilespmem:$0x19200] =	vst v63  }
0xe4: {  	s15 =	simm.s32 $0x18A00  }
0xe5: {  	[tilespmem:s15], [sflag:$0x3] =	stream.indirect_vreg.gather [hbm4b:s13+s28], $0x80, v4, vm0, $0xb8;
	[tilespmem:$0x19200] =	vst v63  }
0xe6: {  	_ =	swait.ge [sflag:s19], $0x8000  }
0xe7: {  	[sflag:s19] =	ssyncset.done $0x0  }
0xe8: {  	s4 =	rddreg [dreg:$0x7];
	[sflag:s19] =	ssyncadd.s32 $0xFFFF8000  }
0xe9: {  	[hbm4b:s4+s28] =	stream.linear.scatter [tilespmem:s23], [sflag:$0x5], $0x8000, $0x38;
	[tilespmem:$0x19200] =	vst v63  }
0xea: {  	_ =	swait.ge [sflag:s25], $0x8000  }
0xeb: {  	[sflag:s25] =	ssyncset.done $0x0  }
0xec: {  	[sflag:s25] =	ssyncadd.s32 $0xFFFF8000  }
0xed: {  	v4 =	vld [tilespmem:$0x1030];
	_ =	sdelay $0x4  }
0xee: {  	v5 =	vshll.u32 v4, $0x4  }
0xef: {  	v4 =	vand.u32 $0x7, v4;
	v5 =	vand.u32 $0xFFFFFF80, v5  }
0xf0: {  	v4 =	vor.u32 v4, v5  }
0xf1: {  	v5 =	vperm.xlane v4, v1;
	_ =	sdelay $0x1  }
0xf2: {  	v5 =	vadd.s32 v2, v5;
	_ =	sdelay $0x4  }
0xf3: {  	[tilespmem:s17], [sflag:$0x1] =	stream.indirect_vreg.gather [hbm4b:s1+s28], $0x80, v5, vm0, $0xb8;
	[tilespmem:$0x19200] =	vst v63  }
0xf4: {  	_ = 	snop  }
0xf5: {  	[tilespmem:s29], [sflag:$0x1] =	stream.indirect_vreg.gather [hbm4b:s6+s28], $0x80, v5, vm0, $0xb8;
	[tilespmem:$0x19200] =	vst v63  }
0xf6: {  	_ = 	snop  }
0xf7: {  	[tilespmem:s22], [sflag:$0x1] =	stream.indirect_vreg.gather [hbm4b:s7+s28], $0x80, v5, vm0, $0xb8;
	[tilespmem:$0x19200] =	vst v63  }
0xf8: {  	_ = 	snop  }
0xf9: {  	[tilespmem:s2], [sflag:$0x1] =	stream.indirect_vreg.gather [hbm4b:s8+s28], $0x80, v5, vm0, $0xb8;
	[tilespmem:$0x19200] =	vst v63  }
0xfa: {  	_ = 	snop  }
0xfb: {  	[tilespmem:s14], [sflag:$0x1] =	stream.indirect_vreg.gather [hbm4b:s9+s28], $0x80, v5, vm0, $0xb8;
	[tilespmem:$0x19200] =	vst v63  }
0xfc: {  	v4 =	vperm.xlane v4, v3  }
0xfd: {  	[tilespmem:s18], [sflag:$0x1] =	stream.indirect_vreg.gather [hbm4b:s10+s28], $0x80, v5, vm0, $0xb8;
	[tilespmem:$0x19200] =	vst v63  }
0xfe: {  	v4 =	vadd.s32 v2, v4  }
0xff: {  	[tilespmem:s20], [sflag:$0x1] =	stream.indirect_vreg.gather [hbm4b:s11+s28], $0x80, v5, vm0, $0xb8;
	[tilespmem:$0x19200] =	vst v63  }
0x100: {  	_ = 	snop  }
0x101: {  	[tilespmem:s21], [sflag:$0x1] =	stream.indirect_vreg.gather [hbm4b:s13+s28], $0x80, v5, vm0, $0xb8;
	[tilespmem:$0x19200] =	vst v63  }
0x102: {  	_ = 	snop  }
0x103: {  	[tilespmem:s24], [sflag:$0x1] =	stream.indirect_vreg.gather [hbm4b:s1+s28], $0x80, v4, vm0, $0xb8;
	[tilespmem:$0x19200] =	vst v63  }
0x104: {  	_ = 	snop  }
0x105: {  	[tilespmem:s30], [sflag:$0x1] =	stream.indirect_vreg.gather [hbm4b:s6+s28], $0x80, v4, vm0, $0xb8;
	[tilespmem:$0x19200] =	vst v63  }
0x106: {  	s29 =	simm.s32 $0x6200  }
0x107: {  	[tilespmem:s29], [sflag:$0x1] =	stream.indirect_vreg.gather [hbm4b:s7+s28], $0x80, v4, vm0, $0xb8;
	[tilespmem:$0x19200] =	vst v63  }
0x108: {  	s14 =	simm.s32 $0x6A00  }
0x109: {  	[tilespmem:s14], [sflag:$0x1] =	stream.indirect_vreg.gather [hbm4b:s8+s28], $0x80, v4, vm0, $0xb8;
	[tilespmem:$0x19200] =	vst v63  }
0x10a: {  	s15 =	simm.s32 $0x7200  }
0x10b: {  	[tilespmem:s15], [sflag:$0x1] =	stream.indirect_vreg.gather [hbm4b:s9+s28], $0x80, v4, vm0, $0xb8;
	[tilespmem:$0x19200] =	vst v63  }
0x10c: {  	s18 =	simm.s32 $0x7A00  }
0x10d: {  	[tilespmem:s18], [sflag:$0x1] =	stream.indirect_vreg.gather [hbm4b:s10+s28], $0x80, v4, vm0, $0xb8;
	[tilespmem:$0x19200] =	vst v63  }
0x10e: {  	s20 =	simm.s32 $0x8200  }
0x10f: {  	[tilespmem:s20], [sflag:$0x1] =	stream.indirect_vreg.gather [hbm4b:s11+s28], $0x80, v4, vm0, $0xb8;
	[tilespmem:$0x19200] =	vst v63  }
0x110: {  	s12 =	simm.s32 $0x8A00  }
0x111: {  	[tilespmem:s12], [sflag:$0x1] =	stream.indirect_vreg.gather [hbm4b:s13+s28], $0x80, v4, vm0, $0xb8;
	[tilespmem:$0x19200] =	vst v63  }
0x112: {  	s12 =	simm.s32 $0x3  }
0x113: {  	_ =	swait.ge [sflag:s12], $0x8000  }
0x114: {  	[sflag:s12] =	ssyncset.done $0x0  }
0x115: {  	s22 =	rddreg [dreg:$0x8];
	[sflag:s12] =	ssyncadd.s32 $0xFFFF8000  }
0x116: {  	[hbm4b:s22+s28] =	stream.linear.scatter [tilespmem:s16], [sflag:$0x6], $0x8000, $0x38;
	[tilespmem:$0x19200] =	vst v63  }
0x117: {  	_ =	swait.ge [sflag:s26], $0x8000  }
0x118: {  	[sflag:s26] =	ssyncset.done $0x0  }
0x119: {  	[sflag:s26] =	ssyncadd.s32 $0xFFFF8000  }
0x11a: {  	v4 =	vld [tilespmem:$0x1040];
	_ =	sdelay $0x4  }
0x11b: {  	v5 =	vshll.u32 v4, $0x4  }
0x11c: {  	v4 =	vand.u32 $0x7, v4;
	v5 =	vand.u32 $0xFFFFFF80, v5  }
0x11d: {  	v4 =	vor.u32 v4, v5  }
0x11e: {  	v5 =	vperm.xlane v4, v1;
	_ =	sdelay $0x1  }
0x11f: {  	v5 =	vadd.s32 v2, v5;
	_ =	sdelay $0x4  }
0x120: {  	[tilespmem:s23], [sflag:$0x2] =	stream.indirect_vreg.gather [hbm4b:s1+s28], $0x80, v5, vm0, $0xb8;
	[tilespmem:$0x19200] =	vst v63  }
0x121: {  	_ = 	snop  }
0x122: {  	[tilespmem:s31], [sflag:$0x2] =	stream.indirect_vreg.gather [hbm4b:s6+s28], $0x80, v5, vm0, $0xb8;
	[tilespmem:$0x19200] =	vst v63  }
0x123: {  	s29 =	simm.s32 $0xA200  }
0x124: {  	[tilespmem:s29], [sflag:$0x2] =	stream.indirect_vreg.gather [hbm4b:s7+s28], $0x80, v5, vm0, $0xb8;
	[tilespmem:$0x19200] =	vst v63  }
0x125: {  	s22 =	simm.s32 $0xAA00  }
0x126: {  	[tilespmem:s22], [sflag:$0x2] =	stream.indirect_vreg.gather [hbm4b:s8+s28], $0x80, v5, vm0, $0xb8;
	[tilespmem:$0x19200] =	vst v63  }
0x127: {  	s29 =	simm.s32 $0xB200  }
0x128: {  	[tilespmem:s29], [sflag:$0x2] =	stream.indirect_vreg.gather [hbm4b:s9+s28], $0x80, v5, vm0, $0xb8;
	[tilespmem:$0x19200] =	vst v63  }
0x129: {  	v4 =	vperm.xlane v4, v3;
	s22 =	simm.s32 $0xBA00  }
0x12a: {  	[tilespmem:s22], [sflag:$0x2] =	stream.indirect_vreg.gather [hbm4b:s10+s28], $0x80, v5, vm0, $0xb8;
	[tilespmem:$0x19200] =	vst v63  }
0x12b: {  	v4 =	vadd.s32 v2, v4;
	s29 =	simm.s32 $0xC200  }
0x12c: {  	[tilespmem:s29], [sflag:$0x2] =	stream.indirect_vreg.gather [hbm4b:s11+s28], $0x80, v5, vm0, $0xb8;
	[tilespmem:$0x19200] =	vst v63  }
0x12d: {  	s22 =	simm.s32 $0xCA00  }
0x12e: {  	[tilespmem:s22], [sflag:$0x2] =	stream.indirect_vreg.gather [hbm4b:s13+s28], $0x80, v5, vm0, $0xb8;
	[tilespmem:$0x19200] =	vst v63  }
0x12f: {  	s29 =	simm.s32 $0xD200  }
0x130: {  	[tilespmem:s29], [sflag:$0x2] =	stream.indirect_vreg.gather [hbm4b:s1+s28], $0x80, v4, vm0, $0xb8;
	[tilespmem:$0x19200] =	vst v63  }
0x131: {  	s22 =	simm.s32 $0xDA00  }
0x132: {  	[tilespmem:s22], [sflag:$0x2] =	stream.indirect_vreg.gather [hbm4b:s6+s28], $0x80, v4, vm0, $0xb8;
	[tilespmem:$0x19200] =	vst v63  }
0x133: {  	s0 =	simm.s32 $0x5200;
	s29 =	simm.s32 $0xE200  }
0x134: {  	[tilespmem:s29], [sflag:$0x2] =	stream.indirect_vreg.gather [hbm4b:s7+s28], $0x80, v4, vm0, $0xb8;
	[tilespmem:$0x19200] =	vst v63  }
0x135: {  	s4 =	simm.s32 $0x7A00;
	s2 =	simm.s32 $0x5A00;
	s22 =	simm.s32 $0xEA00  }
0x136: {  	[tilespmem:s22], [sflag:$0x2] =	stream.indirect_vreg.gather [hbm4b:s8+s28], $0x80, v4, vm0, $0xb8;
	[tilespmem:$0x19200] =	vst v63  }
0x137: {  	s21 =	simm.s32 $0x6A00;
	s24 =	simm.s32 $0x6200;
	s29 =	simm.s32 $0xF200  }
0x138: {  	[tilespmem:s29], [sflag:$0x2] =	stream.indirect_vreg.gather [hbm4b:s9+s28], $0x80, v4, vm0, $0xb8;
	[tilespmem:$0x19200] =	vst v63  }
0x139: {  	s30 =	simm.s32 $0x1;
	s14 =	simm.s32 $0x7200;
	s22 =	simm.s32 $0xFA00  }
0x13a: {  	[tilespmem:s22], [sflag:$0x2] =	stream.indirect_vreg.gather [hbm4b:s10+s28], $0x80, v4, vm0, $0xb8;
	[tilespmem:$0x19200] =	vst v63  }
0x13b: {  	s15 =	simm.s32 $0x1070;
	s18 =	simm.s32 $0x8200;
	s29 =	simm.s32 $0x10200  }
0x13c: {  	[tilespmem:s29], [sflag:$0x2] =	stream.indirect_vreg.gather [hbm4b:s11+s28], $0x80, v4, vm0, $0xb8;
	[tilespmem:$0x19200] =	vst v63  }
0x13d: {  	s20 =	simm.s32 $0x8A00;
	s31 =	simm.s32 $0x6;
	s22 =	simm.s32 $0x10A00  }
0x13e: {  	[tilespmem:s22], [sflag:$0x2] =	stream.indirect_vreg.gather [hbm4b:s13+s28], $0x80, v4, vm0, $0xb8;
	[tilespmem:$0x19200] =	vst v63  }
.LBB2_18:
0x13f: {  	_ =	swait.ge [sflag:s30], $0x8000  }
0x140: {  	s22 =	rddreg [dreg:$0x4]  }
0x141: {  	[sflag:s30] =	ssyncset.done $0x0;
	s29 =	sadd.s32 s28, s22  }
0x142: {  	[sflag:s30] =	ssyncadd.s32 $0xFFFF8000;
	s22 =	sadd.s32 $0x3000, s29  }
0x143: {  	[hbm4b:s22+s3] =	stream.linear.scatter [tilespmem:s17], [sflag:$0x4], $0x8000, $0x38;
	[tilespmem:$0x19200] =	vst v63  }
0x144: {  	_ =	swait.ge [sflag:s31], $0x8000  }
0x145: {  	[sflag:s31] =	ssyncset.done $0x0  }
0x146: {  	[sflag:s31] =	ssyncadd.s32 $0xFFFF8000  }
0x147: {  	v4 =	vld [tilespmem:s15+$0xFFFFFFE0];
	_ =	sdelay $0x4  }
0x148: {  	v5 =	vshll.u32 v4, $0x4  }
0x149: {  	v4 =	vand.u32 $0x7, v4;
	v5 =	vand.u32 $0xFFFFFF80, v5  }
0x14a: {  	v4 =	vor.u32 v4, v5  }
0x14b: {  	v5 =	vperm.xlane v4, v1;
	_ =	sdelay $0x1  }
0x14c: {  	v5 =	vadd.s32 v2, v5;
	_ =	sdelay $0x4  }
0x14d: {  	[tilespmem:s16], [sflag:$0x3] =	stream.indirect_vreg.gather [hbm4b:s1+s3], $0x80, v5, vm0, $0xb8;
	[tilespmem:$0x19200] =	vst v63  }
0x14e: {  	s22 =	simm.s32 $0x11A00  }
0x14f: {  	[tilespmem:s22], [sflag:$0x3] =	stream.indirect_vreg.gather [hbm4b:s6+s3], $0x80, v5, vm0, $0xb8;
	[tilespmem:$0x19200] =	vst v63  }
0x150: {  	s22 =	simm.s32 $0x12200  }
0x151: {  	[tilespmem:s22], [sflag:$0x3] =	stream.indirect_vreg.gather [hbm4b:s7+s3], $0x80, v5, vm0, $0xb8;
	[tilespmem:$0x19200] =	vst v63  }
0x152: {  	s22 =	simm.s32 $0x12A00  }
0x153: {  	[tilespmem:s22], [sflag:$0x3] =	stream.indirect_vreg.gather [hbm4b:s8+s3], $0x80, v5, vm0, $0xb8;
	[tilespmem:$0x19200] =	vst v63  }
0x154: {  	s22 =	simm.s32 $0x13200  }
0x155: {  	[tilespmem:s22], [sflag:$0x3] =	stream.indirect_vreg.gather [hbm4b:s9+s3], $0x80, v5, vm0, $0xb8;
	[tilespmem:$0x19200] =	vst v63  }
0x156: {  	v4 =	vperm.xlane v4, v3;
	s22 =	simm.s32 $0x13A00  }
0x157: {  	[tilespmem:s22], [sflag:$0x3] =	stream.indirect_vreg.gather [hbm4b:s10+s3], $0x80, v5, vm0, $0xb8;
	[tilespmem:$0x19200] =	vst v63  }
0x158: {  	v4 =	vadd.s32 v2, v4;
	s22 =	simm.s32 $0x14200  }
0x159: {  	[tilespmem:s22], [sflag:$0x3] =	stream.indirect_vreg.gather [hbm4b:s11+s3], $0x80, v5, vm0, $0xb8;
	[tilespmem:$0x19200] =	vst v63  }
0x15a: {  	s22 =	simm.s32 $0x14A00  }
0x15b: {  	[tilespmem:s22], [sflag:$0x3] =	stream.indirect_vreg.gather [hbm4b:s13+s3], $0x80, v5, vm0, $0xb8;
	[tilespmem:$0x19200] =	vst v63  }
0x15c: {  	s22 =	simm.s32 $0x15200  }
0x15d: {  	[tilespmem:s22], [sflag:$0x3] =	stream.indirect_vreg.gather [hbm4b:s1+s3], $0x80, v4, vm0, $0xb8;
	[tilespmem:$0x19200] =	vst v63  }
0x15e: {  	s22 =	simm.s32 $0x15A00  }
0x15f: {  	[tilespmem:s22], [sflag:$0x3] =	stream.indirect_vreg.gather [hbm4b:s6+s3], $0x80, v4, vm0, $0xb8;
	[tilespmem:$0x19200] =	vst v63  }
0x160: {  	s22 =	simm.s32 $0x16200  }
0x161: {  	[tilespmem:s22], [sflag:$0x3] =	stream.indirect_vreg.gather [hbm4b:s7+s3], $0x80, v4, vm0, $0xb8;
	[tilespmem:$0x19200] =	vst v63  }
0x162: {  	s22 =	simm.s32 $0x16A00  }
0x163: {  	[tilespmem:s22], [sflag:$0x3] =	stream.indirect_vreg.gather [hbm4b:s8+s3], $0x80, v4, vm0, $0xb8;
	[tilespmem:$0x19200] =	vst v63  }
0x164: {  	s22 =	simm.s32 $0x17200  }
0x165: {  	[tilespmem:s22], [sflag:$0x3] =	stream.indirect_vreg.gather [hbm4b:s9+s3], $0x80, v4, vm0, $0xb8;
	[tilespmem:$0x19200] =	vst v63  }
0x166: {  	s22 =	simm.s32 $0x17A00  }
0x167: {  	[tilespmem:s22], [sflag:$0x3] =	stream.indirect_vreg.gather [hbm4b:s10+s3], $0x80, v4, vm0, $0xb8;
	[tilespmem:$0x19200] =	vst v63  }
0x168: {  	s22 =	simm.s32 $0x18200  }
0x169: {  	[tilespmem:s22], [sflag:$0x3] =	stream.indirect_vreg.gather [hbm4b:s11+s3], $0x80, v4, vm0, $0xb8;
	[tilespmem:$0x19200] =	vst v63  }
0x16a: {  	s22 =	simm.s32 $0x18A00  }
0x16b: {  	[tilespmem:s22], [sflag:$0x3] =	stream.indirect_vreg.gather [hbm4b:s13+s3], $0x80, v4, vm0, $0xb8;
	[tilespmem:$0x19200] =	vst v63  }
0x16c: {  	_ =	swait.ge [sflag:s19], $0x8000  }
0x16d: {  	[sflag:s19] =	ssyncset.done $0x0  }
0x16e: {  	s22 =	sadd.s32 $0x4000, s29;
	[sflag:s19] =	ssyncadd.s32 $0xFFFF8000  }
0x16f: {  	[hbm4b:s22+s3] =	stream.linear.scatter [tilespmem:s23], [sflag:$0x5], $0x8000, $0x38;
	[tilespmem:$0x19200] =	vst v63  }
0x170: {  	_ =	swait.ge [sflag:s25], $0x8000  }
0x171: {  	[sflag:s25] =	ssyncset.done $0x0  }
0x172: {  	[sflag:s25] =	ssyncadd.s32 $0xFFFF8000  }
0x173: {  	v4 =	vld [tilespmem:s15+$0xFFFFFFF0];
	_ =	sdelay $0x4  }
0x174: {  	v5 =	vshll.u32 v4, $0x4  }
0x175: {  	v4 =	vand.u32 $0x7, v4;
	v5 =	vand.u32 $0xFFFFFF80, v5  }
0x176: {  	v4 =	vor.u32 v4, v5  }
0x177: {  	v5 =	vperm.xlane v4, v1;
	_ =	sdelay $0x1  }
0x178: {  	v5 =	vadd.s32 v2, v5;
	_ =	sdelay $0x4  }
0x179: {  	[tilespmem:s17], [sflag:$0x1] =	stream.indirect_vreg.gather [hbm4b:s1+s3], $0x80, v5, vm0, $0xb8;
	[tilespmem:$0x19200] =	vst v63  }
0x17a: {  	s22 =	simm.s32 $0x1A00  }
0x17b: {  	[tilespmem:s22], [sflag:$0x1] =	stream.indirect_vreg.gather [hbm4b:s6+s3], $0x80, v5, vm0, $0xb8;
	[tilespmem:$0x19200] =	vst v63  }
0x17c: {  	s22 =	simm.s32 $0x2200  }
0x17d: {  	[tilespmem:s22], [sflag:$0x1] =	stream.indirect_vreg.gather [hbm4b:s7+s3], $0x80, v5, vm0, $0xb8;
	[tilespmem:$0x19200] =	vst v63  }
0x17e: {  	s22 =	simm.s32 $0x2A00  }
0x17f: {  	[tilespmem:s22], [sflag:$0x1] =	stream.indirect_vreg.gather [hbm4b:s8+s3], $0x80, v5, vm0, $0xb8;
	[tilespmem:$0x19200] =	vst v63  }
0x180: {  	s22 =	simm.s32 $0x3200  }
0x181: {  	[tilespmem:s22], [sflag:$0x1] =	stream.indirect_vreg.gather [hbm4b:s9+s3], $0x80, v5, vm0, $0xb8;
	[tilespmem:$0x19200] =	vst v63  }
0x182: {  	v4 =	vperm.xlane v4, v3;
	s22 =	simm.s32 $0x3A00  }
0x183: {  	[tilespmem:s22], [sflag:$0x1] =	stream.indirect_vreg.gather [hbm4b:s10+s3], $0x80, v5, vm0, $0xb8;
	[tilespmem:$0x19200] =	vst v63  }
0x184: {  	v4 =	vadd.s32 v2, v4;
	s22 =	simm.s32 $0x4200  }
0x185: {  	[tilespmem:s22], [sflag:$0x1] =	stream.indirect_vreg.gather [hbm4b:s11+s3], $0x80, v5, vm0, $0xb8;
	[tilespmem:$0x19200] =	vst v63  }
0x186: {  	s22 =	simm.s32 $0x4A00  }
0x187: {  	[tilespmem:s22], [sflag:$0x1] =	stream.indirect_vreg.gather [hbm4b:s13+s3], $0x80, v5, vm0, $0xb8;
	[tilespmem:$0x19200] =	vst v63  }
0x188: {  	_ = 	snop  }
0x189: {  	[tilespmem:s0], [sflag:$0x1] =	stream.indirect_vreg.gather [hbm4b:s1+s3], $0x80, v4, vm0, $0xb8;
	[tilespmem:$0x19200] =	vst v63  }
0x18a: {  	_ = 	snop  }
0x18b: {  	[tilespmem:s2], [sflag:$0x1] =	stream.indirect_vreg.gather [hbm4b:s6+s3], $0x80, v4, vm0, $0xb8;
	[tilespmem:$0x19200] =	vst v63  }
0x18c: {  	_ = 	snop  }
0x18d: {  	[tilespmem:s24], [sflag:$0x1] =	stream.indirect_vreg.gather [hbm4b:s7+s3], $0x80, v4, vm0, $0xb8;
	[tilespmem:$0x19200] =	vst v63  }
0x18e: {  	_ = 	snop  }
0x18f: {  	[tilespmem:s21], [sflag:$0x1] =	stream.indirect_vreg.gather [hbm4b:s8+s3], $0x80, v4, vm0, $0xb8;
	[tilespmem:$0x19200] =	vst v63  }
0x190: {  	_ = 	snop  }
0x191: {  	[tilespmem:s14], [sflag:$0x1] =	stream.indirect_vreg.gather [hbm4b:s9+s3], $0x80, v4, vm0, $0xb8;
	[tilespmem:$0x19200] =	vst v63  }
0x192: {  	_ = 	snop  }
0x193: {  	[tilespmem:s4], [sflag:$0x1] =	stream.indirect_vreg.gather [hbm4b:s10+s3], $0x80, v4, vm0, $0xb8;
	[tilespmem:$0x19200] =	vst v63  }
0x194: {  	_ = 	snop  }
0x195: {  	[tilespmem:s18], [sflag:$0x1] =	stream.indirect_vreg.gather [hbm4b:s11+s3], $0x80, v4, vm0, $0xb8;
	[tilespmem:$0x19200] =	vst v63  }
0x196: {  	_ = 	snop  }
0x197: {  	[tilespmem:s20], [sflag:$0x1] =	stream.indirect_vreg.gather [hbm4b:s13+s3], $0x80, v4, vm0, $0xb8;
	[tilespmem:$0x19200] =	vst v63  }
0x198: {  	_ =	swait.ge [sflag:s12], $0x8000  }
0x199: {  	[sflag:s12] =	ssyncset.done $0x0  }
0x19a: {  	s29 =	sadd.s32 $0x5000, s29;
	[sflag:s12] =	ssyncadd.s32 $0xFFFF8000  }
0x19b: {  	[hbm4b:s29+s3] =	stream.linear.scatter [tilespmem:s16], [sflag:$0x6], $0x8000, $0x38;
	[tilespmem:$0x19200] =	vst v63  }
0x19c: {  	_ =	swait.ge [sflag:s26], $0x8000  }
0x19d: {  	[sflag:s26] =	ssyncset.done $0x0  }
0x19e: {  	[sflag:s26] =	ssyncadd.s32 $0xFFFF8000  }
0x19f: {  	v4 =	vld [tilespmem:s15+$0x0];
	_ =	sdelay $0x4  }
0x1a0: {  	v5 =	vshll.u32 v4, $0x4  }
0x1a1: {  	v4 =	vand.u32 $0x7, v4;
	v5 =	vand.u32 $0xFFFFFF80, v5  }
0x1a2: {  	v4 =	vor.u32 v4, v5  }
0x1a3: {  	v5 =	vperm.xlane v4, v1;
	_ =	sdelay $0x1  }
0x1a4: {  	v5 =	vadd.s32 v2, v5;
	_ =	sdelay $0x4  }
0x1a5: {  	[tilespmem:s23], [sflag:$0x2] =	stream.indirect_vreg.gather [hbm4b:s1+s3], $0x80, v5, vm0, $0xb8;
	[tilespmem:$0x19200] =	vst v63  }
0x1a6: {  	s29 =	simm.s32 $0x9A00  }
0x1a7: {  	[tilespmem:s29], [sflag:$0x2] =	stream.indirect_vreg.gather [hbm4b:s6+s3], $0x80, v5, vm0, $0xb8;
	[tilespmem:$0x19200] =	vst v63  }
0x1a8: {  	s29 =	simm.s32 $0xA200  }
0x1a9: {  	[tilespmem:s29], [sflag:$0x2] =	stream.indirect_vreg.gather [hbm4b:s7+s3], $0x80, v5, vm0, $0xb8;
	[tilespmem:$0x19200] =	vst v63  }
0x1aa: {  	s29 =	simm.s32 $0xAA00  }
0x1ab: {  	[tilespmem:s29], [sflag:$0x2] =	stream.indirect_vreg.gather [hbm4b:s8+s3], $0x80, v5, vm0, $0xb8;
	[tilespmem:$0x19200] =	vst v63  }
0x1ac: {  	s29 =	simm.s32 $0xB200  }
0x1ad: {  	[tilespmem:s29], [sflag:$0x2] =	stream.indirect_vreg.gather [hbm4b:s9+s3], $0x80, v5, vm0, $0xb8;
	[tilespmem:$0x19200] =	vst v63  }
0x1ae: {  	v4 =	vperm.xlane v4, v3;
	s29 =	simm.s32 $0xBA00  }
0x1af: {  	[tilespmem:s29], [sflag:$0x2] =	stream.indirect_vreg.gather [hbm4b:s10+s3], $0x80, v5, vm0, $0xb8;
	[tilespmem:$0x19200] =	vst v63  }
0x1b0: {  	v4 =	vadd.s32 v2, v4;
	s29 =	simm.s32 $0xC200  }
0x1b1: {  	[tilespmem:s29], [sflag:$0x2] =	stream.indirect_vreg.gather [hbm4b:s11+s3], $0x80, v5, vm0, $0xb8;
	[tilespmem:$0x19200] =	vst v63  }
0x1b2: {  	s29 =	simm.s32 $0xCA00  }
0x1b3: {  	[tilespmem:s29], [sflag:$0x2] =	stream.indirect_vreg.gather [hbm4b:s13+s3], $0x80, v5, vm0, $0xb8;
	[tilespmem:$0x19200] =	vst v63  }
0x1b4: {  	s29 =	simm.s32 $0xD200  }
0x1b5: {  	[tilespmem:s29], [sflag:$0x2] =	stream.indirect_vreg.gather [hbm4b:s1+s3], $0x80, v4, vm0, $0xb8;
	[tilespmem:$0x19200] =	vst v63  }
0x1b6: {  	s29 =	simm.s32 $0xDA00  }
0x1b7: {  	[tilespmem:s29], [sflag:$0x2] =	stream.indirect_vreg.gather [hbm4b:s6+s3], $0x80, v4, vm0, $0xb8;
	[tilespmem:$0x19200] =	vst v63  }
0x1b8: {  	s29 =	simm.s32 $0xE200  }
0x1b9: {  	[tilespmem:s29], [sflag:$0x2] =	stream.indirect_vreg.gather [hbm4b:s7+s3], $0x80, v4, vm0, $0xb8;
	[tilespmem:$0x19200] =	vst v63  }
0x1ba: {  	s29 =	simm.s32 $0xEA00  }
0x1bb: {  	[tilespmem:s29], [sflag:$0x2] =	stream.indirect_vreg.gather [hbm4b:s8+s3], $0x80, v4, vm0, $0xb8;
	[tilespmem:$0x19200] =	vst v63  }
0x1bc: {  	s29 =	simm.s32 $0xF200  }
0x1bd: {  	[tilespmem:s29], [sflag:$0x2] =	stream.indirect_vreg.gather [hbm4b:s9+s3], $0x80, v4, vm0, $0xb8;
	[tilespmem:$0x19200] =	vst v63  }
0x1be: {  	p1 =	sne.s32 s28, $0x18000;
	s29 =	simm.s32 $0xFA00  }
0x1bf: {  	[tilespmem:s29], [sflag:$0x2] =	stream.indirect_vreg.gather [hbm4b:s10+s3], $0x80, v4, vm0, $0xb8;
	[tilespmem:$0x19200] =	vst v63  }
.Ltmp8:
0x1c0: {  	_ = 	snop;
	(pc) =	sbr.rel @p1 .LBB2_18-.Ltmp8, $4  }
0x1c1: {  	s29 =	simm.s32 $0x10200  }
0x1c2: {  	[tilespmem:s29], [sflag:$0x2] =	stream.indirect_vreg.gather [hbm4b:s11+s3], $0x80, v4, vm0, $0xb8;
	[tilespmem:$0x19200] =	vst v63  }
0x1c3: {  	s28 =	sadd.s32 $0x3000, s28;
	s15 =	sadd.s32 $0x30, s15;
	s29 =	simm.s32 $0x10A00  }
0x1c4: {  	[tilespmem:s29], [sflag:$0x2] =	stream.indirect_vreg.gather [hbm4b:s13+s3], $0x80, v4, vm0, $0xb8;
	[tilespmem:$0x19200] =	vst v63  }
0x1c5: {  	_ =	swait.ge [sflag:s30], $0x8000  }
0x1c6: {  	[sflag:s30] =	ssyncset.done $0x0  }
0x1c7: {  	s15 =	rddreg [dreg:$0x9];
	[sflag:s30] =	ssyncadd.s32 $0xFFFF8000  }
0x1c8: {  	[hbm4b:s15+s3] =	stream.linear.scatter [tilespmem:s17], [sflag:$0x4], $0x8000, $0x38;
	[tilespmem:$0x19200] =	vst v63  }
0x1c9: {  	_ =	swait.ge [sflag:s19], $0x8000  }
0x1ca: {  	[sflag:s19] =	ssyncset.done $0x0  }
0x1cb: {  	s29 =	rddreg [dreg:$0xa];
	[sflag:s19] =	ssyncadd.s32 $0xFFFF8000  }
0x1cc: {  	[hbm4b:s29+s3] =	stream.linear.scatter [tilespmem:s23], [sflag:$0x5], $0x8000, $0x38;
	[tilespmem:$0x19200] =	vst v63  }
0x1cd: {  	_ =	swait.ge [sflag:s25], $0x8000  }
0x1ce: {  	[sflag:s25] =	ssyncset.done $0x0  }
0x1cf: {  	[sflag:s25] =	ssyncadd.s32 $0xFFFF8000  }
0x1d0: {  	_ =	swait.ge [sflag:s26], $0x8000  }
0x1d1: {  	[sflag:s26] =	ssyncset.done $0x0  }
0x1d2: {  	[sflag:s26] =	ssyncadd.s32 $0xFFFF8000  }
0x1d3: {  	_ =	swait.ge [sflag:s31], $0x8000  }
0x1d4: {  	s2 =	rddreg [dreg:$0xd]  }
0x1d5: {  	s30 =	rddreg [dreg:$0xb];
	s2 =	sadd.s32 $0x1, s2  }
0x1d6: {  	p1 =	sne.s32 s2, s30  }
.Ltmp9:
0x1d7: {  	_ = 	snop;
	(pc) =	sbr.rel @p1 .LBB2_1-.Ltmp9, $4  }
.Ltmp10:
0x1d8: {  	_ = 	snop;
	(pc) =	sbr.rel @!p1 .LBB2_20-.Ltmp10, $4  }
0x1d9: {  	_ = 	snop  }
0x1da: {  	s0 =	simm.s32 $0x1200;
	[sflag:s31] =	ssyncset.done $0x0  }
0x1db: {  	s4 =	simm.s32 $0x1;
	s23 =	simm.s32 $0x8A00;
	[sflag:s31] =	ssyncadd.s32 $0xFFFF8000  }
0x1dc: {  	_ = 	snop  }
.LBB2_3:
.Ltmp11:
0x1dd: {  	(pc) =	sbr.rel .LBB2_14-.Ltmp11, $2  }
0x1de: {  	_ =	sdelay $0x2  }
0x1df: {  	s15 =	simm.s32 $0x0  }
.LBB2_5:
.Ltmp12:
0x1e0: {  	(pc) =	sbr.rel .LBB2_14-.Ltmp12, $2  }
0x1e1: {  	_ =	sdelay $0x2  }
0x1e2: {  	s15 =	simm.s32 $0x0  }
.LBB2_7:
.Ltmp13:
0x1e3: {  	(pc) =	sbr.rel .LBB2_14-.Ltmp13, $2  }
0x1e4: {  	_ =	sdelay $0x2  }
0x1e5: {  	s15 =	simm.s32 $0x0  }
.LBB2_9:
.Ltmp14:
0x1e6: {  	(pc) =	sbr.rel .LBB2_14-.Ltmp14, $2  }
0x1e7: {  	_ =	sdelay $0x2  }
0x1e8: {  	s15 =	simm.s32 $0x0  }
.LBB2_11:
.Ltmp15:
0x1e9: {  	(pc) =	sbr.rel .LBB2_14-.Ltmp15, $2  }
0x1ea: {  	_ =	sdelay $0x2  }
0x1eb: {  	s15 =	simm.s32 $0x0  }
.LBB2_20:
0x1ec: {  	_ =	sfence.sel $0x180000  }
0x1ed: {  	[bflag:$0x0] =	sbarrier.arrive $0xFFFF  }
0x1ee: {  	_ =	strace $0x90000047  }
0x1ef: {  	s0 =	stileid.u32;
	[bflag:$0x2] =	sbarrier.arrive $0xFFFF  }
0x1f0: {  	p0 =	sne.s32 s0, $0x0;
	s0 =	rddreg [dreg:$0x3]  }
0x1f1: {  	s0 =	sadd.s32 @!p0 $0x100000, s0  }
0x1f2: {  	[sflag:s0] =	ssyncadd.tile.s32 @!p0 $0x1;
	_ =	shalt  }
.Lfunc_end2:
_tile_overlayer_lowered:
.L_overlay_start_2:
0x1f3: {  	(tag) =	ssettag $0x2  }
0x1f4: {  	s0 =	rddreg [dreg:$0x0];
	s2 =	stileid.u32  }
0x1f5: {  	s1 =	rddreg [dreg:$0x1];
	p0 =	sne.s32 s2, $0x0  }
0x1f6: {  	s3 =	rddreg [dreg:$0x2];
	[bflag:$0x3] =	sbarrier.arrive $0xFFFF;
	s2 =	simm.s32 @!p0 $0x1C07  }
0x1f7: {  	[timem:s3], [sflag:s2] =	dma.local @!p0 [hbm:s0], s1  }
0x1f8: {  	s0 =	simm.s32 @!p0 $0x7  }
0x1f9: {  	_ =	swait.ge @!p0 [sflag:s0], s1  }
0x1fa: {  	s1 =	ssub.s32 @!p0 $0x0, s1;
	[sflag:s0] =	ssyncset.done @!p0 $0x0  }
0x1fb: {  	[sflag:s0] =	ssyncadd.s32 @!p0 s1  }
0x1fc: {  	[bflag:$0x3] =	sbarrier.arrive $0xFFFF  }
0x1fd: {  	_ =	shalt  }

</sc_bundles>
